<compile_context>
chip_gen: v7x
topology: tpu7x:2x2x1
jax: 0.10.2.dev20260603
libtpu: 0.0.44.dev20260713+nightly
codegen_flags: <defaults>
</compile_context>

<pallas_src>
import functools

import jax
import jax.numpy as jnp
from jax import lax
from jax.experimental import pallas as pl
from jax.experimental.pallas import tpu as pltpu
from jax.experimental.pallas import tpu_sc as plsc

N = 10000
E = 320000
H = 128
G = 512
NP = 10240

NC = 2
NS = 16
NW = NC * NS

_MESH = plsc.VectorSubcoreMesh(core_axis_name="c", subcore_axis_name="s")


def _make_conv():
    EW = E // NW
    C = 80
    NCHUNK = EW // C
    RPT = NP // NS

    @functools.partial(
        pl.kernel,
        out_type=jax.ShapeDtypeStruct((NC, NP, H), jnp.float32),
        mesh=_MESH,
        scratch_types=[
            pltpu.VMEM((C,), jnp.int32),
            pltpu.VMEM((C,), jnp.int32),
            pltpu.VMEM((C, H), jnp.float32),
            pltpu.VMEM_SHARED((NP, H), jnp.float32),
            pltpu.SemaphoreType.DMA,
        ],
    )
    def conv(u_hbm, src_hbm, dst_hbm, out_hbm, idx_s, idx_d, rows, acc, sem):
        c = lax.axis_index("c")
        s = lax.axis_index("s")
        wid = s * NC + c
        r0 = s * RPT
        pltpu.sync_copy(u_hbm.at[pl.ds(r0, RPT)], acc.at[pl.ds(r0, RPT)])
        plsc.subcore_barrier()
        base = wid * EW

        def body(j, carry):
            off = base + j * C
            pltpu.sync_copy(src_hbm.at[pl.ds(off, C)], idx_s)
            pltpu.sync_copy(dst_hbm.at[pl.ds(off, C)], idx_d)
            pltpu.async_copy(u_hbm.at[idx_s], rows, sem).wait()
            pltpu.sync_copy(rows, acc.at[idx_d], add=True)
            return carry

        lax.fori_loop(0, NCHUNK, body, 0)
        plsc.subcore_barrier()
        pltpu.sync_copy(acc.at[pl.ds(r0, RPT)], out_hbm.at[c, pl.ds(r0, RPT)])

    return conv


def _make_deg():
    EW = E // NW
    C = 80
    NCHUNK = EW // C
    RPT = NP // NS
    DW = 16

    @functools.partial(
        pl.kernel,
        out_type=jax.ShapeDtypeStruct((NC, NP, DW), jnp.float32),
        mesh=_MESH,
        scratch_types=[
            pltpu.VMEM((C,), jnp.int32),
            pltpu.VMEM((C, DW), jnp.float32),
            pltpu.VMEM_SHARED((NP, DW), jnp.float32),
        ],
    )
    def deg(dst_hbm, ones_hbm, zeros_hbm, out_hbm, idx_d, ones_v, hist):
        c = lax.axis_index("c")
        s = lax.axis_index("s")
        wid = s * NC + c
        r0 = s * RPT
        pltpu.sync_copy(zeros_hbm.at[pl.ds(r0, RPT)], hist.at[pl.ds(r0, RPT)])
        pltpu.sync_copy(ones_hbm, ones_v)
        plsc.subcore_barrier()
        base = wid * EW

        def body(j, carry):
            off = base + j * C
            pltpu.sync_copy(dst_hbm.at[pl.ds(off, C)], idx_d)
            pltpu.sync_copy(ones_v, hist.at[idx_d], add=True)
            return carry

        lax.fori_loop(0, NCHUNK, body, 0)
        plsc.subcore_barrier()
        pltpu.sync_copy(hist.at[pl.ds(r0, RPT)], out_hbm.at[c, pl.ds(r0, RPT)])

    return deg


def _make_segsum():
    RPT = NP // NS
    C = 128
    NCHUNK = RPT // C
    GPT = G // NS

    @functools.partial(
        pl.kernel,
        out_type=jax.ShapeDtypeStruct((NC, G, H), jnp.float32),
        mesh=_MESH,
        scratch_types=[
            pltpu.VMEM((C,), jnp.int32),
            pltpu.VMEM((C, H), jnp.float32),
            pltpu.VMEM_SHARED((G, H), jnp.float32),
            pltpu.SemaphoreType.DMA,
        ],
    )
    def segsum(h_hbm, batch_hbm, zeros_hbm, out_hbm, idx_b, rows, acc, sem):
        c = lax.axis_index("c")
        s = lax.axis_index("s")
        g0 = s * GPT
        pltpu.sync_copy(zeros_hbm.at[pl.ds(g0, GPT)], acc.at[pl.ds(g0, GPT)])
        plsc.subcore_barrier()
        r0 = s * RPT

        def body(j, carry):
            off = r0 + j * C
            pltpu.sync_copy(batch_hbm.at[pl.ds(off, C)], idx_b)
            pltpu.async_copy(h_hbm.at[pl.ds(off, C)], rows, sem).wait()
            pltpu.sync_copy(rows, acc.at[idx_b], add=True)
            return carry

        lax.fori_loop(0, NCHUNK, body, 0)
        plsc.subcore_barrier()
        pltpu.sync_copy(acc.at[pl.ds(g0, GPT)], out_hbm.at[c, pl.ds(g0, GPT)])

    return segsum


_conv_call = _make_conv()
_deg_call = _make_deg()
_segsum_call = _make_segsum()


_BM = 1024
_NBLK = 10


def _tc1_body(x_ref, hist_ref, embed_ref, w1_ref, u1_ref, dinv_ref):
    xb = x_ref[...]
    deg = 1.0 + hist_ref[0, :, 0:1] + hist_ref[1, :, 0:1]
    dinv = jax.lax.rsqrt(deg)
    dinv_b = jnp.broadcast_to(dinv, (_BM, H))
    cls = lax.broadcasted_iota(jnp.int32, (1, 32), 1)
    onehot = (xb == cls).astype(jnp.float32)
    ew1 = jnp.dot(embed_ref[...], w1_ref[...],
                  preferred_element_type=jnp.float32)
    u1 = dinv_b * jnp.dot(onehot, ew1, preferred_element_type=jnp.float32)
    u1_ref[...] = u1
    dinv_ref[...] = dinv_b


def _tc1(x, hist, embed32, w1):
    return pl.pallas_call(
        _tc1_body,
        grid=(_NBLK,),
        in_specs=[
            pl.BlockSpec((_BM, 1), lambda i: (i, 0)),
            pl.BlockSpec((NC, _BM, 16), lambda i: (0, i, 0)),
            pl.BlockSpec((32, H), lambda i: (0, 0)),
            pl.BlockSpec((H, H), lambda i: (0, 0)),
        ],
        out_specs=[
            pl.BlockSpec((_BM, H), lambda i: (i, 0)),
            pl.BlockSpec((_BM, H), lambda i: (i, 0)),
        ],
        out_shape=[
            jax.ShapeDtypeStruct((NP, H), jnp.float32),
            jax.ShapeDtypeStruct((NP, H), jnp.float32),
        ],
    )(x, hist, embed32, w1)


def _tc2_body(s_ref, u1_ref, dinv_ref, b1_ref, w2_ref, u2_ref):
    dinv = dinv_ref[...]
    pre = dinv * (s_ref[0] + s_ref[1] - u1_ref[...]) + b1_ref[...]
    h1 = jnp.maximum(pre, 0.0)
    u2_ref[...] = dinv * jnp.dot(h1, w2_ref[...],
                                 preferred_element_type=jnp.float32)


def _tc2(s1, u1, dinv_b, b1r, w2):
    return pl.pallas_call(
        _tc2_body,
        grid=(_NBLK,),
        in_specs=[
            pl.BlockSpec((NC, _BM, H), lambda i: (0, i, 0)),
            pl.BlockSpec((_BM, H), lambda i: (i, 0)),
            pl.BlockSpec((_BM, H), lambda i: (i, 0)),
            pl.BlockSpec((1, H), lambda i: (0, 0)),
            pl.BlockSpec((H, H), lambda i: (0, 0)),
        ],
        out_specs=pl.BlockSpec((_BM, H), lambda i: (i, 0)),
        out_shape=jax.ShapeDtypeStruct((NP, H), jnp.float32),
    )(s1, u1, dinv_b, b1r, w2)


def _tc3_body(s_ref, u2_ref, dinv_ref, b2_ref, h2_ref):
    i = pl.program_id(0)
    row = i * _BM + lax.broadcasted_iota(jnp.int32, (_BM, 1), 0)
    valid = row < N
    h2 = dinv_ref[...] * (s_ref[0] + s_ref[1] - u2_ref[...]) + b2_ref[...]
    h2_ref[...] = jnp.where(valid, h2, 0.0)


def _tc3(s2, u2, dinv_b, b2r):
    return pl.pallas_call(
        _tc3_body,
        grid=(_NBLK,),
        in_specs=[
            pl.BlockSpec((NC, _BM, H), lambda i: (0, i, 0)),
            pl.BlockSpec((_BM, H), lambda i: (i, 0)),
            pl.BlockSpec((_BM, H), lambda i: (i, 0)),
            pl.BlockSpec((1, H), lambda i: (0, 0)),
        ],
        out_specs=pl.BlockSpec((_BM, H), lambda i: (i, 0)),
        out_shape=jax.ShapeDtypeStruct((NP, H), jnp.float32),
    )(s2, u2, dinv_b, b2r)


@jax.jit
def kernel(x, edge_index, batch, embed, W1, b1, W2, b2):
    src = edge_index[0]
    dst = edge_index[1]
    embed32 = jnp.zeros((32, H), embed.dtype).at[:28].set(embed)
    ones16 = jnp.ones((80, 16), jnp.float32)
    zeros16 = jnp.zeros((NP, 16), jnp.float32)
    zeros_g = jnp.zeros((G, H), jnp.float32)
    batch_pad = jnp.zeros((NP,), jnp.int32).at[:N].set(batch)

    hist = _deg_call(dst, ones16, zeros16)
    u1, dinv_b = _tc1(x, hist, embed32, W1)
    s1 = _conv_call(u1, src, dst)
    u2 = _tc2(s1, u1, dinv_b, b1.reshape(1, H), W2)
    s2 = _conv_call(u2, src, dst)
    h2 = _tc3(s2, u2, dinv_b, b2.reshape(1, H))
    y = _segsum_call(h2, batch_pad, zeros_g)
    return (y[0], x)

# --- scband reference (transcript-rebuilt; emitter-appended) ---
"""Pipeline reference for scband-normal-gcn-62706522522022 (READ-ONLY COPY).

The authoritative reference and input builder live on the scoring server;
editing this copy changes nothing except your own understanding.
"""

import jax, jax.numpy as jnp
import numpy as np

N = 10000
E = 320000
H = 128
OUT = 128
G = 512


def setup_inputs(seed: int = 0) -> dict:
    key = jax.random.key(seed)
    k = jax.random.split(key, 8)
    x = jax.random.randint(k[0], (N, 1), 0, 28, dtype=jnp.int32)
    edge_index = jax.random.randint(k[1], (2, E), 0, N, dtype=jnp.int32)
    batch = jnp.sort(jax.random.randint(k[2], (N,), 0, G, dtype=jnp.int32))
    embed = jax.random.normal(k[3], (28, H), dtype=jnp.float32)
    W1 = jax.random.normal(k[4], (H, H), dtype=jnp.float32) * 0.08
    b1 = jnp.zeros((H,), dtype=jnp.float32)
    W2 = jax.random.normal(k[5], (H, OUT), dtype=jnp.float32) * 0.08
    b2 = jnp.zeros((OUT,), dtype=jnp.float32)
    return {"x": x, "edge_index": edge_index, "batch": batch, "embed": embed,
            "W1": W1, "b1": b1, "W2": W2, "b2": b2}


def _gcn_conv(h, src, dst, norm, W, b, n_nodes):
    # GCNConv: out[dst] += norm * (x @ W)[src]; symmetric normalization with self-loops
    hw = h @ W
    msg = jnp.take(hw, src, axis=0) * norm[:, None]
    out = jnp.zeros((n_nodes, W.shape[1]), dtype=h.dtype).at[dst].add(msg)
    return out + b


def reference(x, edge_index, batch, embed, W1, b1, W2, b2):
    n_nodes = x.shape[0]
    loop = jnp.arange(n_nodes, dtype=edge_index.dtype)
    src = jnp.concatenate([edge_index[0], loop])
    dst = jnp.concatenate([edge_index[1], loop])
    deg = jnp.zeros((n_nodes,), dtype=jnp.float32).at[dst].add(1.0)
    dinv = jax.lax.rsqrt(deg)  # deg >= 1 due to self-loops
    norm = dinv[src] * dinv[dst]
    # embed_x(data.x.long()).squeeze(1)
    h = jnp.take(embed, x[:, 0], axis=0)
    # GCN stack: conv -> relu -> conv
    h = _gcn_conv(h, src, dst, norm, W1, b1, n_nodes)
    h = jax.nn.relu(h)
    h = _gcn_conv(h, src, dst, norm, W2, b2, n_nodes)
    # scatter_sum over graph batch ids
    y_hat = jax.ops.segment_sum(h, batch, num_segments=G)
    return (y_hat, x)

if __name__ == "__main__":
    import jax
    _d = setup_inputs()
    print(jax.jit(kernel)(*tuple(_d.values())))

</pallas_src>

<mosaic_0001>
#map = affine_map<(d0, d1) -> (0, 0)>
#map1 = affine_map<(d0, d1) -> (0)>
#map2 = affine_map<(d0, d1) -> (0, 0, 0)>
module attributes {stable_mosaic.version = 14 : i64} {
  func.func @conv(%arg0: i32, %arg1: i32, %arg2: memref<10240x128xf32, #tpu.memory_space<hbm>>, %arg3: memref<320000xi32, #tpu.memory_space<hbm>>, %arg4: memref<320000xi32, #tpu.memory_space<hbm>>, %arg5: memref<2x10240x128xf32, #tpu.memory_space<hbm>>, %arg6: memref<80xi32, #tpu.memory_space<vmem>>, %arg7: memref<80xi32, #tpu.memory_space<vmem>>, %arg8: memref<80x128xf32, #tpu.memory_space<vmem>>, %arg9: memref<10240x128xf32, #tpu.memory_space<vmem_shared>>, %arg10: memref<!tpu.dma_semaphore, #tpu.memory_space<semaphore_mem>>) attributes {dimension_semantics = [#tpu.dimension_semantics<core_parallel>, #tpu.dimension_semantics<subcore_parallel>], iteration_bounds = array<i64: 2, 16>, scalar_prefetch = 0 : i64, scratch_operands = 5 : i64, tpu.core_type = #tpu.core_type<sc_vector_subcore>, window_params = [{transform_indices = #map}, {transform_indices = #map1}, {transform_indices = #map1}, {transform_indices = #map2}]} {
    %mul3A = arith.constant 2 : i32
    %mul3A_0 = arith.muli %arg1, %mul3A : i32
    %add3A = arith.addi %mul3A_0, %arg0 : i32
    %mul3A_1 = arith.constant 640 : i32
    %mul3A_2 = arith.muli %arg1, %mul3A_1 : i32
    "tpu.region"() ({
      %run_scoped3A = tpu.sem_alloc : memref<!tpu.dma_semaphore, #tpu.memory_space<semaphore_mem>>
      %dma_start3A = arith.constant 0 : i32
      %dma_start3A_11 = tpu.memref_slice %arg9[%mul3A_2, %dma_start3A] : memref<10240x128xf32, #tpu.memory_space<vmem_shared>> -> memref<640x128xf32, #tpu.memory_space<vmem_shared>>
      %dma_start3A_12 = arith.constant 0 : i32
      %dma_start3A_13 = tpu.memref_slice %arg2[%mul3A_2, %dma_start3A_12] : memref<10240x128xf32, #tpu.memory_space<hbm>> -> memref<640x128xf32, #tpu.memory_space<hbm>>
      tpu.enqueue_dma source(%dma_start3A_13 : memref<640x128xf32, #tpu.memory_space<hbm>>) target(%dma_start3A_11 : memref<640x128xf32, #tpu.memory_space<vmem_shared>>) target_semaphore(%run_scoped3A : memref<!tpu.dma_semaphore, #tpu.memory_space<semaphore_mem>>)
      %dma_wait3A = arith.constant 0 : i32
      %dma_wait3A_14 = tpu.memref_slice %arg9[%mul3A_2, %dma_wait3A] : memref<10240x128xf32, #tpu.memory_space<vmem_shared>> -> memref<640x128xf32, #tpu.memory_space<vmem_shared>>
      %dma_wait3A_15 = arith.constant 0 : i32
      %dma_wait3A_16 = tpu.memref_slice %arg2[%mul3A_2, %dma_wait3A_15] : memref<10240x128xf32, #tpu.memory_space<hbm>> -> memref<640x128xf32, #tpu.memory_space<hbm>>
      tpu.wait_dma2 semaphore(%run_scoped3A : memref<!tpu.dma_semaphore, #tpu.memory_space<semaphore_mem>>) src(%dma_wait3A_16 : memref<640x128xf32, #tpu.memory_space<hbm>>) dst(%dma_wait3A_14 : memref<640x128xf32, #tpu.memory_space<vmem_shared>>)
      tpu.yield
    }) : () -> ()
    %barrier3A = arith.constant 0 : index
    tpu.barrier barrier_id(%barrier3A)
    %mul3A_3 = arith.constant 10000 : i32
    %mul3A_4 = arith.muli %add3A, %mul3A_3 : i32
    %scan3A = arith.constant 0 : i32
    %scan3A_5 = arith.constant 0 : i32
    %scan3A_6 = arith.constant 125 : i32
    %scan3A_7 = arith.addi %scan3A_5, %scan3A_6 : i32
    %scan3A_8 = arith.constant 1 : i32
    scf.for %scan3A_11 = %scan3A_5 to %scan3A_7 step %scan3A_8  : i32 {
      %mul3A_12 = arith.constant 80 : i32
      %mul3A_13 = arith.muli %scan3A_11, %mul3A_12 : i32
      %add3A_14 = arith.addi %mul3A_4, %mul3A_13 : i32
      "tpu.region"() ({
        %run_scoped3A = tpu.sem_alloc : memref<!tpu.dma_semaphore, #tpu.memory_space<semaphore_mem>>
        %dma_start3A_19 = tpu.memref_slice %arg3[%add3A_14] : memref<320000xi32, #tpu.memory_space<hbm>> -> memref<80xi32, #tpu.memory_space<hbm>>
        %dma_start3A_20 = tpu.memref_slice %arg3[%add3A_14] : memref<320000xi32, #tpu.memory_space<hbm>> -> memref<80xi32, #tpu.memory_space<hbm>>
        tpu.enqueue_dma source(%dma_start3A_20 : memref<80xi32, #tpu.memory_space<hbm>>) target(%arg6 : memref<80xi32, #tpu.memory_space<vmem>>) target_semaphore(%run_scoped3A : memref<!tpu.dma_semaphore, #tpu.memory_space<semaphore_mem>>)
        %dma_wait3A_21 = tpu.memref_slice %arg3[%add3A_14] : memref<320000xi32, #tpu.memory_space<hbm>> -> memref<80xi32, #tpu.memory_space<hbm>>
        %dma_wait3A_22 = tpu.memref_slice %arg3[%add3A_14] : memref<320000xi32, #tpu.memory_space<hbm>> -> memref<80xi32, #tpu.memory_space<hbm>>
        tpu.wait_dma2 semaphore(%run_scoped3A : memref<!tpu.dma_semaphore, #tpu.memory_space<semaphore_mem>>) src(%dma_wait3A_22 : memref<80xi32, #tpu.memory_space<hbm>>) dst(%arg6 : memref<80xi32, #tpu.memory_space<vmem>>)
        tpu.yield
      }) : () -> ()
      "tpu.region"() ({
        %run_scoped3A = tpu.sem_alloc : memref<!tpu.dma_semaphore, #tpu.memory_space<semaphore_mem>>
        %dma_start3A_19 = tpu.memref_slice %arg4[%add3A_14] : memref<320000xi32, #tpu.memory_space<hbm>> -> memref<80xi32, #tpu.memory_space<hbm>>
        %dma_start3A_20 = tpu.memref_slice %arg4[%add3A_14] : memref<320000xi32, #tpu.memory_space<hbm>> -> memref<80xi32, #tpu.memory_space<hbm>>
        tpu.enqueue_dma source(%dma_start3A_20 : memref<80xi32, #tpu.memory_space<hbm>>) target(%arg7 : memref<80xi32, #tpu.memory_space<vmem>>) target_semaphore(%run_scoped3A : memref<!tpu.dma_semaphore, #tpu.memory_space<semaphore_mem>>)
        %dma_wait3A_21 = tpu.memref_slice %arg4[%add3A_14] : memref<320000xi32, #tpu.memory_space<hbm>> -> memref<80xi32, #tpu.memory_space<hbm>>
        %dma_wait3A_22 = tpu.memref_slice %arg4[%add3A_14] : memref<320000xi32, #tpu.memory_space<hbm>> -> memref<80xi32, #tpu.memory_space<hbm>>
        tpu.wait_dma2 semaphore(%run_scoped3A : memref<!tpu.dma_semaphore, #tpu.memory_space<semaphore_mem>>) src(%dma_wait3A_22 : memref<80xi32, #tpu.memory_space<hbm>>) dst(%arg7 : memref<80xi32, #tpu.memory_space<vmem>>)
        tpu.yield
      }) : () -> ()
      %dma_start3A = arith.constant 0 : i32
      %dma_start3A_15 = arith.constant 0 : i32
      %dma_start3A_16 = tpu.memref_slice %arg2[%dma_start3A, %dma_start3A_15] : memref<10240x128xf32, #tpu.memory_space<hbm>> -> memref<10240x128xf32, #tpu.memory_space<hbm>>
      tpu.enqueue_indirect_dma source(%dma_start3A_16 : memref<10240x128xf32, #tpu.memory_space<hbm>>) target(%arg8 : memref<80x128xf32, #tpu.memory_space<vmem>>) offsets(%arg6 : memref<80xi32, #tpu.memory_space<vmem>>) semaphore(%arg10 : memref<!tpu.dma_semaphore, #tpu.memory_space<semaphore_mem>>)
      %dma_wait3A = arith.constant 0 : i32
      %dma_wait3A_17 = arith.constant 0 : i32
      %dma_wait3A_18 = tpu.memref_slice %arg2[%dma_wait3A, %dma_wait3A_17] : memref<10240x128xf32, #tpu.memory_space<hbm>> -> memref<10240x128xf32, #tpu.memory_space<hbm>>
      tpu.wait_indirect_dma semaphore(%arg10 : memref<!tpu.dma_semaphore, #tpu.memory_space<semaphore_mem>>) src(%dma_wait3A_18 : memref<10240x128xf32, #tpu.memory_space<hbm>>) dst(%arg8 : memref<80x128xf32, #tpu.memory_space<vmem>>)
      "tpu.region"() ({
        %run_scoped3A = tpu.sem_alloc : memref<!tpu.dma_semaphore, #tpu.memory_space<semaphore_mem>>
        %dma_start3A_19 = arith.constant 0 : i32
        %dma_start3A_20 = arith.constant 0 : i32
        %dma_start3A_21 = tpu.memref_slice %arg9[%dma_start3A_19, %dma_start3A_20] : memref<10240x128xf32, #tpu.memory_space<vmem_shared>> -> memref<10240x128xf32, #tpu.memory_space<vmem_shared>>
        tpu.enqueue_indirect_dma source(%arg8 : memref<80x128xf32, #tpu.memory_space<vmem>>) target(%dma_start3A_21 : memref<10240x128xf32, #tpu.memory_space<vmem_shared>>) offsets(%arg7 : memref<80xi32, #tpu.memory_space<vmem>>) semaphore(%run_scoped3A : memref<!tpu.dma_semaphore, #tpu.memory_space<semaphore_mem>>) {add = true}
        %dma_wait3A_22 = arith.constant 0 : i32
        %dma_wait3A_23 = arith.constant 0 : i32
        %dma_wait3A_24 = tpu.memref_slice %arg9[%dma_wait3A_22, %dma_wait3A_23] : memref<10240x128xf32, #tpu.memory_space<vmem_shared>> -> memref<10240x128xf32, #tpu.memory_space<vmem_shared>>
        tpu.wait_indirect_dma semaphore(%run_scoped3A : memref<!tpu.dma_semaphore, #tpu.memory_space<semaphore_mem>>) src(%arg8 : memref<80x128xf32, #tpu.memory_space<vmem>>) dst(%dma_wait3A_24 : memref<10240x128xf32, #tpu.memory_space<vmem_shared>>)
        tpu.yield
      }) : () -> ()
    }
    %scan3A_9 = arith.constant 125 : i32
    %barrier3A_10 = arith.constant 0 : index
    tpu.barrier barrier_id(%barrier3A_10)
    "tpu.region"() ({
      %run_scoped3A = tpu.sem_alloc : memref<!tpu.dma_semaphore, #tpu.memory_space<semaphore_mem>>
      %dma_start3A = arith.constant 0 : i32
      %dma_start3A_11 = tpu.memref_slice %arg5[%arg0, %mul3A_2, %dma_start3A] : memref<2x10240x128xf32, #tpu.memory_space<hbm>> -> memref<1x640x128xf32, #tpu.memory_space<hbm>>
      %dma_start3A_12 = tpu.memref_squeeze %dma_start3A_11 : memref<1x640x128xf32, #tpu.memory_space<hbm>> -> memref<640x128xf32, #tpu.memory_space<hbm>>
      %dma_start3A_13 = arith.constant 0 : i32
      %dma_start3A_14 = tpu.memref_slice %arg9[%mul3A_2, %dma_start3A_13] : memref<10240x128xf32, #tpu.memory_space<vmem_shared>> -> memref<640x128xf32, #tpu.memory_space<vmem_shared>>
      tpu.enqueue_dma source(%dma_start3A_14 : memref<640x128xf32, #tpu.memory_space<vmem_shared>>) target(%dma_start3A_12 : memref<640x128xf32, #tpu.memory_space<hbm>>) target_semaphore(%run_scoped3A : memref<!tpu.dma_semaphore, #tpu.memory_space<semaphore_mem>>)
      %dma_wait3A = arith.constant 0 : i32
      %dma_wait3A_15 = tpu.memref_slice %arg5[%arg0, %mul3A_2, %dma_wait3A] : memref<2x10240x128xf32, #tpu.memory_space<hbm>> -> memref<1x640x128xf32, #tpu.memory_space<hbm>>
      %dma_wait3A_16 = tpu.memref_squeeze %dma_wait3A_15 : memref<1x640x128xf32, #tpu.memory_space<hbm>> -> memref<640x128xf32, #tpu.memory_space<hbm>>
      %dma_wait3A_17 = arith.constant 0 : i32
      %dma_wait3A_18 = tpu.memref_slice %arg9[%mul3A_2, %dma_wait3A_17] : memref<10240x128xf32, #tpu.memory_space<vmem_shared>> -> memref<640x128xf32, #tpu.memory_space<vmem_shared>>
      tpu.wait_dma2 semaphore(%run_scoped3A : memref<!tpu.dma_semaphore, #tpu.memory_space<semaphore_mem>>) src(%dma_wait3A_18 : memref<640x128xf32, #tpu.memory_space<vmem_shared>>) dst(%dma_wait3A_16 : memref<640x128xf32, #tpu.memory_space<hbm>>)
      tpu.yield
    }) : () -> ()
    return
  }
}

#map = affine_map<(d0, d1) -> (0, 0)>
#map1 = affine_map<(d0, d1) -> (0)>
#map2 = affine_map<(d0, d1) -> (0, 0, 0)>
module attributes {stable_mosaic.version = 14 : i64} {
  func.func @segsum(%arg0: i32, %arg1: i32, %arg2: memref<10240x128xf32, #tpu.memory_space<hbm>>, %arg3: memref<10240xi32, #tpu.memory_space<hbm>>, %arg4: memref<512x128xf32, #tpu.memory_space<hbm>>, %arg5: memref<2x512x128xf32, #tpu.memory_space<hbm>>, %arg6: memref<128xi32, #tpu.memory_space<vmem>>, %arg7: memref<128x128xf32, #tpu.memory_space<vmem>>, %arg8: memref<512x128xf32, #tpu.memory_space<vmem_shared>>, %arg9: memref<!tpu.dma_semaphore, #tpu.memory_space<semaphore_mem>>) attributes {dimension_semantics = [#tpu.dimension_semantics<core_parallel>, #tpu.dimension_semantics<subcore_parallel>], iteration_bounds = array<i64: 2, 16>, scalar_prefetch = 0 : i64, scratch_operands = 4 : i64, tpu.core_type = #tpu.core_type<sc_vector_subcore>, window_params = [{transform_indices = #map}, {transform_indices = #map1}, {transform_indices = #map}, {transform_indices = #map2}]} {
    %mul3A = arith.constant 32 : i32
    %mul3A_0 = arith.muli %arg1, %mul3A : i32
    "tpu.region"() ({
      %run_scoped3A = tpu.sem_alloc : memref<!tpu.dma_semaphore, #tpu.memory_space<semaphore_mem>>
      %dma_start3A = arith.constant 0 : i32
      %dma_start3A_9 = tpu.memref_slice %arg8[%mul3A_0, %dma_start3A] : memref<512x128xf32, #tpu.memory_space<vmem_shared>> -> memref<32x128xf32, #tpu.memory_space<vmem_shared>>
      %dma_start3A_10 = arith.constant 0 : i32
      %dma_start3A_11 = tpu.memref_slice %arg4[%mul3A_0, %dma_start3A_10] : memref<512x128xf32, #tpu.memory_space<hbm>> -> memref<32x128xf32, #tpu.memory_space<hbm>>
      tpu.enqueue_dma source(%dma_start3A_11 : memref<32x128xf32, #tpu.memory_space<hbm>>) target(%dma_start3A_9 : memref<32x128xf32, #tpu.memory_space<vmem_shared>>) target_semaphore(%run_scoped3A : memref<!tpu.dma_semaphore, #tpu.memory_space<semaphore_mem>>)
      %dma_wait3A = arith.constant 0 : i32
      %dma_wait3A_12 = tpu.memref_slice %arg8[%mul3A_0, %dma_wait3A] : memref<512x128xf32, #tpu.memory_space<vmem_shared>> -> memref<32x128xf32, #tpu.memory_space<vmem_shared>>
      %dma_wait3A_13 = arith.constant 0 : i32
      %dma_wait3A_14 = tpu.memref_slice %arg4[%mul3A_0, %dma_wait3A_13] : memref<512x128xf32, #tpu.memory_space<hbm>> -> memref<32x128xf32, #tpu.memory_space<hbm>>
      tpu.wait_dma2 semaphore(%run_scoped3A : memref<!tpu.dma_semaphore, #tpu.memory_space<semaphore_mem>>) src(%dma_wait3A_14 : memref<32x128xf32, #tpu.memory_space<hbm>>) dst(%dma_wait3A_12 : memref<32x128xf32, #tpu.memory_space<vmem_shared>>)
      tpu.yield
    }) : () -> ()
    %barrier3A = arith.constant 0 : index
    tpu.barrier barrier_id(%barrier3A)
    %mul3A_1 = arith.constant 640 : i32
    %mul3A_2 = arith.muli %arg1, %mul3A_1 : i32
    %scan3A = arith.constant 0 : i32
    %scan3A_3 = arith.constant 0 : i32
    %scan3A_4 = arith.constant 5 : i32
    %scan3A_5 = arith.addi %scan3A_3, %scan3A_4 : i32
    %scan3A_6 = arith.constant 1 : i32
    scf.for %scan3A_9 = %scan3A_3 to %scan3A_5 step %scan3A_6  : i32 {
      %mul3A_10 = arith.constant 128 : i32
      %mul3A_11 = arith.muli %scan3A_9, %mul3A_10 : i32
      %add3A = arith.addi %mul3A_2, %mul3A_11 : i32
      "tpu.region"() ({
        %run_scoped3A = tpu.sem_alloc : memref<!tpu.dma_semaphore, #tpu.memory_space<semaphore_mem>>
        %dma_start3A_18 = tpu.memref_slice %arg3[%add3A] : memref<10240xi32, #tpu.memory_space<hbm>> -> memref<128xi32, #tpu.memory_space<hbm>>
        %dma_start3A_19 = tpu.memref_slice %arg3[%add3A] : memref<10240xi32, #tpu.memory_space<hbm>> -> memref<128xi32, #tpu.memory_space<hbm>>
        tpu.enqueue_dma source(%dma_start3A_19 : memref<128xi32, #tpu.memory_space<hbm>>) target(%arg6 : memref<128xi32, #tpu.memory_space<vmem>>) target_semaphore(%run_scoped3A : memref<!tpu.dma_semaphore, #tpu.memory_space<semaphore_mem>>)
        %dma_wait3A_20 = tpu.memref_slice %arg3[%add3A] : memref<10240xi32, #tpu.memory_space<hbm>> -> memref<128xi32, #tpu.memory_space<hbm>>
        %dma_wait3A_21 = tpu.memref_slice %arg3[%add3A] : memref<10240xi32, #tpu.memory_space<hbm>> -> memref<128xi32, #tpu.memory_space<hbm>>
        tpu.wait_dma2 semaphore(%run_scoped3A : memref<!tpu.dma_semaphore, #tpu.memory_space<semaphore_mem>>) src(%dma_wait3A_21 : memref<128xi32, #tpu.memory_space<hbm>>) dst(%arg6 : memref<128xi32, #tpu.memory_space<vmem>>)
        tpu.yield
      }) : () -> ()
      %dma_start3A = arith.constant 0 : i32
      %dma_start3A_12 = tpu.memref_slice %arg2[%add3A, %dma_start3A] : memref<10240x128xf32, #tpu.memory_space<hbm>> -> memref<128x128xf32, #tpu.memory_space<hbm>>
      %dma_start3A_13 = arith.constant 0 : i32
      %dma_start3A_14 = tpu.memref_slice %arg2[%add3A, %dma_start3A_13] : memref<10240x128xf32, #tpu.memory_space<hbm>> -> memref<128x128xf32, #tpu.memory_space<hbm>>
      tpu.enqueue_dma source(%dma_start3A_14 : memref<128x128xf32, #tpu.memory_space<hbm>>) target(%arg7 : memref<128x128xf32, #tpu.memory_space<vmem>>) target_semaphore(%arg9 : memref<!tpu.dma_semaphore, #tpu.memory_space<semaphore_mem>>)
      %dma_wait3A = arith.constant 0 : i32
      %dma_wait3A_15 = tpu.memref_slice %arg2[%add3A, %dma_wait3A] : memref<10240x128xf32, #tpu.memory_space<hbm>> -> memref<128x128xf32, #tpu.memory_space<hbm>>
      %dma_wait3A_16 = arith.constant 0 : i32
      %dma_wait3A_17 = tpu.memref_slice %arg2[%add3A, %dma_wait3A_16] : memref<10240x128xf32, #tpu.memory_space<hbm>> -> memref<128x128xf32, #tpu.memory_space<hbm>>
      tpu.wait_dma2 semaphore(%arg9 : memref<!tpu.dma_semaphore, #tpu.memory_space<semaphore_mem>>) src(%dma_wait3A_17 : memref<128x128xf32, #tpu.memory_space<hbm>>) dst(%arg7 : memref<128x128xf32, #tpu.memory_space<vmem>>)
      "tpu.region"() ({
        %run_scoped3A = tpu.sem_alloc : memref<!tpu.dma_semaphore, #tpu.memory_space<semaphore_mem>>
        %dma_start3A_18 = arith.constant 0 : i32
        %dma_start3A_19 = arith.constant 0 : i32
        %dma_start3A_20 = tpu.memref_slice %arg8[%dma_start3A_18, %dma_start3A_19] : memref<512x128xf32, #tpu.memory_space<vmem_shared>> -> memref<512x128xf32, #tpu.memory_space<vmem_shared>>
        tpu.enqueue_indirect_dma source(%arg7 : memref<128x128xf32, #tpu.memory_space<vmem>>) target(%dma_start3A_20 : memref<512x128xf32, #tpu.memory_space<vmem_shared>>) offsets(%arg6 : memref<128xi32, #tpu.memory_space<vmem>>) semaphore(%run_scoped3A : memref<!tpu.dma_semaphore, #tpu.memory_space<semaphore_mem>>) {add = true}
        %dma_wait3A_21 = arith.constant 0 : i32
        %dma_wait3A_22 = arith.constant 0 : i32
        %dma_wait3A_23 = tpu.memref_slice %arg8[%dma_wait3A_21, %dma_wait3A_22] : memref<512x128xf32, #tpu.memory_space<vmem_shared>> -> memref<512x128xf32, #tpu.memory_space<vmem_shared>>
        tpu.wait_indirect_dma semaphore(%run_scoped3A : memref<!tpu.dma_semaphore, #tpu.memory_space<semaphore_mem>>) src(%arg7 : memref<128x128xf32, #tpu.memory_space<vmem>>) dst(%dma_wait3A_23 : memref<512x128xf32, #tpu.memory_space<vmem_shared>>)
        tpu.yield
      }) : () -> ()
    }
    %scan3A_7 = arith.constant 5 : i32
    %barrier3A_8 = arith.constant 0 : index
    tpu.barrier barrier_id(%barrier3A_8)
    "tpu.region"() ({
      %run_scoped3A = tpu.sem_alloc : memref<!tpu.dma_semaphore, #tpu.memory_space<semaphore_mem>>
      %dma_start3A = arith.constant 0 : i32
      %dma_start3A_9 = tpu.memref_slice %arg5[%arg0, %mul3A_0, %dma_start3A] : memref<2x512x128xf32, #tpu.memory_space<hbm>> -> memref<1x32x128xf32, #tpu.memory_space<hbm>>
      %dma_start3A_10 = tpu.memref_squeeze %dma_start3A_9 : memref<1x32x128xf32, #tpu.memory_space<hbm>> -> memref<32x128xf32, #tpu.memory_space<hbm>>
      %dma_start3A_11 = arith.constant 0 : i32
      %dma_start3A_12 = tpu.memref_slice %arg8[%mul3A_0, %dma_start3A_11] : memref<512x128xf32, #tpu.memory_space<vmem_shared>> -> memref<32x128xf32, #tpu.memory_space<vmem_shared>>
      tpu.enqueue_dma source(%dma_start3A_12 : memref<32x128xf32, #tpu.memory_space<vmem_shared>>) target(%dma_start3A_10 : memref<32x128xf32, #tpu.memory_space<hbm>>) target_semaphore(%run_scoped3A : memref<!tpu.dma_semaphore, #tpu.memory_space<semaphore_mem>>)
      %dma_wait3A = arith.constant 0 : i32
      %dma_wait3A_13 = tpu.memref_slice %arg5[%arg0, %mul3A_0, %dma_wait3A] : memref<2x512x128xf32, #tpu.memory_space<hbm>> -> memref<1x32x128xf32, #tpu.memory_space<hbm>>
      %dma_wait3A_14 = tpu.memref_squeeze %dma_wait3A_13 : memref<1x32x128xf32, #tpu.memory_space<hbm>> -> memref<32x128xf32, #tpu.memory_space<hbm>>
      %dma_wait3A_15 = arith.constant 0 : i32
      %dma_wait3A_16 = tpu.memref_slice %arg8[%mul3A_0, %dma_wait3A_15] : memref<512x128xf32, #tpu.memory_space<vmem_shared>> -> memref<32x128xf32, #tpu.memory_space<vmem_shared>>
      tpu.wait_dma2 semaphore(%run_scoped3A : memref<!tpu.dma_semaphore, #tpu.memory_space<semaphore_mem>>) src(%dma_wait3A_16 : memref<32x128xf32, #tpu.memory_space<vmem_shared>>) dst(%dma_wait3A_14 : memref<32x128xf32, #tpu.memory_space<hbm>>)
      tpu.yield
    }) : () -> ()
    return
  }
}

#map = affine_map<(d0, d1) -> (0)>
#map1 = affine_map<(d0, d1) -> (0, 0)>
#map2 = affine_map<(d0, d1) -> (0, 0, 0)>
module attributes {stable_mosaic.version = 14 : i64} {
  func.func @deg(%arg0: i32, %arg1: i32, %arg2: memref<320000xi32, #tpu.memory_space<hbm>>, %arg3: memref<80x16xf32, #tpu.memory_space<hbm>>, %arg4: memref<10240x16xf32, #tpu.memory_space<hbm>>, %arg5: memref<2x10240x16xf32, #tpu.memory_space<hbm>>, %arg6: memref<80xi32, #tpu.memory_space<vmem>>, %arg7: memref<80x16xf32, #tpu.memory_space<vmem>>, %arg8: memref<10240x16xf32, #tpu.memory_space<vmem_shared>>) attributes {dimension_semantics = [#tpu.dimension_semantics<core_parallel>, #tpu.dimension_semantics<subcore_parallel>], iteration_bounds = array<i64: 2, 16>, scalar_prefetch = 0 : i64, scratch_operands = 3 : i64, tpu.core_type = #tpu.core_type<sc_vector_subcore>, window_params = [{transform_indices = #map}, {transform_indices = #map1}, {transform_indices = #map1}, {transform_indices = #map2}]} {
    %mul3A = arith.constant 2 : i32
    %mul3A_0 = arith.muli %arg1, %mul3A : i32
    %add3A = arith.addi %mul3A_0, %arg0 : i32
    %mul3A_1 = arith.constant 640 : i32
    %mul3A_2 = arith.muli %arg1, %mul3A_1 : i32
    "tpu.region"() ({
      %run_scoped3A = tpu.sem_alloc : memref<!tpu.dma_semaphore, #tpu.memory_space<semaphore_mem>>
      %dma_start3A = arith.constant 0 : i32
      %dma_start3A_11 = tpu.memref_slice %arg8[%mul3A_2, %dma_start3A] : memref<10240x16xf32, #tpu.memory_space<vmem_shared>> -> memref<640x16xf32, #tpu.memory_space<vmem_shared>>
      %dma_start3A_12 = arith.constant 0 : i32
      %dma_start3A_13 = tpu.memref_slice %arg4[%mul3A_2, %dma_start3A_12] : memref<10240x16xf32, #tpu.memory_space<hbm>> -> memref<640x16xf32, #tpu.memory_space<hbm>>
      tpu.enqueue_dma source(%dma_start3A_13 : memref<640x16xf32, #tpu.memory_space<hbm>>) target(%dma_start3A_11 : memref<640x16xf32, #tpu.memory_space<vmem_shared>>) target_semaphore(%run_scoped3A : memref<!tpu.dma_semaphore, #tpu.memory_space<semaphore_mem>>)
      %dma_wait3A = arith.constant 0 : i32
      %dma_wait3A_14 = tpu.memref_slice %arg8[%mul3A_2, %dma_wait3A] : memref<10240x16xf32, #tpu.memory_space<vmem_shared>> -> memref<640x16xf32, #tpu.memory_space<vmem_shared>>
      %dma_wait3A_15 = arith.constant 0 : i32
      %dma_wait3A_16 = tpu.memref_slice %arg4[%mul3A_2, %dma_wait3A_15] : memref<10240x16xf32, #tpu.memory_space<hbm>> -> memref<640x16xf32, #tpu.memory_space<hbm>>
      tpu.wait_dma2 semaphore(%run_scoped3A : memref<!tpu.dma_semaphore, #tpu.memory_space<semaphore_mem>>) src(%dma_wait3A_16 : memref<640x16xf32, #tpu.memory_space<hbm>>) dst(%dma_wait3A_14 : memref<640x16xf32, #tpu.memory_space<vmem_shared>>)
      tpu.yield
    }) : () -> ()
    "tpu.region"() ({
      %run_scoped3A = tpu.sem_alloc : memref<!tpu.dma_semaphore, #tpu.memory_space<semaphore_mem>>
      tpu.enqueue_dma source(%arg3 : memref<80x16xf32, #tpu.memory_space<hbm>>) target(%arg7 : memref<80x16xf32, #tpu.memory_space<vmem>>) target_semaphore(%run_scoped3A : memref<!tpu.dma_semaphore, #tpu.memory_space<semaphore_mem>>)
      tpu.wait_dma2 semaphore(%run_scoped3A : memref<!tpu.dma_semaphore, #tpu.memory_space<semaphore_mem>>) src(%arg3 : memref<80x16xf32, #tpu.memory_space<hbm>>) dst(%arg7 : memref<80x16xf32, #tpu.memory_space<vmem>>)
      tpu.yield
    }) : () -> ()
    %barrier3A = arith.constant 0 : index
    tpu.barrier barrier_id(%barrier3A)
    %mul3A_3 = arith.constant 10000 : i32
    %mul3A_4 = arith.muli %add3A, %mul3A_3 : i32
    %scan3A = arith.constant 0 : i32
    %scan3A_5 = arith.constant 0 : i32
    %scan3A_6 = arith.constant 125 : i32
    %scan3A_7 = arith.addi %scan3A_5, %scan3A_6 : i32
    %scan3A_8 = arith.constant 1 : i32
    scf.for %scan3A_11 = %scan3A_5 to %scan3A_7 step %scan3A_8  : i32 {
      %mul3A_12 = arith.constant 80 : i32
      %mul3A_13 = arith.muli %scan3A_11, %mul3A_12 : i32
      %add3A_14 = arith.addi %mul3A_4, %mul3A_13 : i32
      "tpu.region"() ({
        %run_scoped3A = tpu.sem_alloc : memref<!tpu.dma_semaphore, #tpu.memory_space<semaphore_mem>>
        %dma_start3A = tpu.memref_slice %arg2[%add3A_14] : memref<320000xi32, #tpu.memory_space<hbm>> -> memref<80xi32, #tpu.memory_space<hbm>>
        %dma_start3A_15 = tpu.memref_slice %arg2[%add3A_14] : memref<320000xi32, #tpu.memory_space<hbm>> -> memref<80xi32, #tpu.memory_space<hbm>>
        tpu.enqueue_dma source(%dma_start3A_15 : memref<80xi32, #tpu.memory_space<hbm>>) target(%arg6 : memref<80xi32, #tpu.memory_space<vmem>>) target_semaphore(%run_scoped3A : memref<!tpu.dma_semaphore, #tpu.memory_space<semaphore_mem>>)
        %dma_wait3A = tpu.memref_slice %arg2[%add3A_14] : memref<320000xi32, #tpu.memory_space<hbm>> -> memref<80xi32, #tpu.memory_space<hbm>>
        %dma_wait3A_16 = tpu.memref_slice %arg2[%add3A_14] : memref<320000xi32, #tpu.memory_space<hbm>> -> memref<80xi32, #tpu.memory_space<hbm>>
        tpu.wait_dma2 semaphore(%run_scoped3A : memref<!tpu.dma_semaphore, #tpu.memory_space<semaphore_mem>>) src(%dma_wait3A_16 : memref<80xi32, #tpu.memory_space<hbm>>) dst(%arg6 : memref<80xi32, #tpu.memory_space<vmem>>)
        tpu.yield
      }) : () -> ()
      "tpu.region"() ({
        %run_scoped3A = tpu.sem_alloc : memref<!tpu.dma_semaphore, #tpu.memory_space<semaphore_mem>>
        %dma_start3A = arith.constant 0 : i32
        %dma_start3A_15 = arith.constant 0 : i32
        %dma_start3A_16 = tpu.memref_slice %arg8[%dma_start3A, %dma_start3A_15] : memref<10240x16xf32, #tpu.memory_space<vmem_shared>> -> memref<10240x16xf32, #tpu.memory_space<vmem_shared>>
        tpu.enqueue_indirect_dma source(%arg7 : memref<80x16xf32, #tpu.memory_space<vmem>>) target(%dma_start3A_16 : memref<10240x16xf32, #tpu.memory_space<vmem_shared>>) offsets(%arg6 : memref<80xi32, #tpu.memory_space<vmem>>) semaphore(%run_scoped3A : memref<!tpu.dma_semaphore, #tpu.memory_space<semaphore_mem>>) {add = true}
        %dma_wait3A = arith.constant 0 : i32
        %dma_wait3A_17 = arith.constant 0 : i32
        %dma_wait3A_18 = tpu.memref_slice %arg8[%dma_wait3A, %dma_wait3A_17] : memref<10240x16xf32, #tpu.memory_space<vmem_shared>> -> memref<10240x16xf32, #tpu.memory_space<vmem_shared>>
        tpu.wait_indirect_dma semaphore(%run_scoped3A : memref<!tpu.dma_semaphore, #tpu.memory_space<semaphore_mem>>) src(%arg7 : memref<80x16xf32, #tpu.memory_space<vmem>>) dst(%dma_wait3A_18 : memref<10240x16xf32, #tpu.memory_space<vmem_shared>>)
        tpu.yield
      }) : () -> ()
    }
    %scan3A_9 = arith.constant 125 : i32
    %barrier3A_10 = arith.constant 0 : index
    tpu.barrier barrier_id(%barrier3A_10)
    "tpu.region"() ({
      %run_scoped3A = tpu.sem_alloc : memref<!tpu.dma_semaphore, #tpu.memory_space<semaphore_mem>>
      %dma_start3A = arith.constant 0 : i32
      %dma_start3A_11 = tpu.memref_slice %arg5[%arg0, %mul3A_2, %dma_start3A] : memref<2x10240x16xf32, #tpu.memory_space<hbm>> -> memref<1x640x16xf32, #tpu.memory_space<hbm>>
      %dma_start3A_12 = tpu.memref_squeeze %dma_start3A_11 : memref<1x640x16xf32, #tpu.memory_space<hbm>> -> memref<640x16xf32, #tpu.memory_space<hbm>>
      %dma_start3A_13 = arith.constant 0 : i32
      %dma_start3A_14 = tpu.memref_slice %arg8[%mul3A_2, %dma_start3A_13] : memref<10240x16xf32, #tpu.memory_space<vmem_shared>> -> memref<640x16xf32, #tpu.memory_space<vmem_shared>>
      tpu.enqueue_dma source(%dma_start3A_14 : memref<640x16xf32, #tpu.memory_space<vmem_shared>>) target(%dma_start3A_12 : memref<640x16xf32, #tpu.memory_space<hbm>>) target_semaphore(%run_scoped3A : memref<!tpu.dma_semaphore, #tpu.memory_space<semaphore_mem>>)
      %dma_wait3A = arith.constant 0 : i32
      %dma_wait3A_15 = tpu.memref_slice %arg5[%arg0, %mul3A_2, %dma_wait3A] : memref<2x10240x16xf32, #tpu.memory_space<hbm>> -> memref<1x640x16xf32, #tpu.memory_space<hbm>>
      %dma_wait3A_16 = tpu.memref_squeeze %dma_wait3A_15 : memref<1x640x16xf32, #tpu.memory_space<hbm>> -> memref<640x16xf32, #tpu.memory_space<hbm>>
      %dma_wait3A_17 = arith.constant 0 : i32
      %dma_wait3A_18 = tpu.memref_slice %arg8[%mul3A_2, %dma_wait3A_17] : memref<10240x16xf32, #tpu.memory_space<vmem_shared>> -> memref<640x16xf32, #tpu.memory_space<vmem_shared>>
      tpu.wait_dma2 semaphore(%run_scoped3A : memref<!tpu.dma_semaphore, #tpu.memory_space<semaphore_mem>>) src(%dma_wait3A_18 : memref<640x16xf32, #tpu.memory_space<vmem_shared>>) dst(%dma_wait3A_16 : memref<640x16xf32, #tpu.memory_space<hbm>>)
      tpu.yield
    }) : () -> ()
    return
  }
}

#map = affine_map<(d0, d1) -> (0, 0)>
#map1 = affine_map<(d0, d1) -> (0)>
#map2 = affine_map<(d0, d1) -> (0, 0, 0)>
module attributes {stable_mosaic.version = 14 : i64} {
  func.func @conv(%arg0: i32, %arg1: i32, %arg2: memref<10240x128xf32, #tpu.memory_space<hbm>>, %arg3: memref<320000xi32, #tpu.memory_space<hbm>>, %arg4: memref<320000xi32, #tpu.memory_space<hbm>>, %arg5: memref<2x10240x128xf32, #tpu.memory_space<hbm>>, %arg6: memref<80xi32, #tpu.memory_space<vmem>>, %arg7: memref<80xi32, #tpu.memory_space<vmem>>, %arg8: memref<80x128xf32, #tpu.memory_space<vmem>>, %arg9: memref<10240x128xf32, #tpu.memory_space<vmem_shared>>, %arg10: memref<!tpu.dma_semaphore, #tpu.memory_space<semaphore_mem>>) attributes {dimension_semantics = [#tpu.dimension_semantics<core_parallel>, #tpu.dimension_semantics<subcore_parallel>], iteration_bounds = array<i64: 2, 16>, scalar_prefetch = 0 : i64, scratch_operands = 5 : i64, tpu.core_type = #tpu.core_type<sc_vector_subcore>, window_params = [{transform_indices = #map}, {transform_indices = #map1}, {transform_indices = #map1}, {transform_indices = #map2}]} {
    %mul3A = arith.constant 2 : i32
    %mul3A_0 = arith.muli %arg1, %mul3A : i32
    %add3A = arith.addi %mul3A_0, %arg0 : i32
    %mul3A_1 = arith.constant 640 : i32
    %mul3A_2 = arith.muli %arg1, %mul3A_1 : i32
    "tpu.region"() ({
      %run_scoped3A = tpu.sem_alloc : memref<!tpu.dma_semaphore, #tpu.memory_space<semaphore_mem>>
      %dma_start3A = arith.constant 0 : i32
      %dma_start3A_11 = tpu.memref_slice %arg9[%mul3A_2, %dma_start3A] : memref<10240x128xf32, #tpu.memory_space<vmem_shared>> -> memref<640x128xf32, #tpu.memory_space<vmem_shared>>
      %dma_start3A_12 = arith.constant 0 : i32
      %dma_start3A_13 = tpu.memref_slice %arg2[%mul3A_2, %dma_start3A_12] : memref<10240x128xf32, #tpu.memory_space<hbm>> -> memref<640x128xf32, #tpu.memory_space<hbm>>
      tpu.enqueue_dma source(%dma_start3A_13 : memref<640x128xf32, #tpu.memory_space<hbm>>) target(%dma_start3A_11 : memref<640x128xf32, #tpu.memory_space<vmem_shared>>) target_semaphore(%run_scoped3A : memref<!tpu.dma_semaphore, #tpu.memory_space<semaphore_mem>>)
      %dma_wait3A = arith.constant 0 : i32
      %dma_wait3A_14 = tpu.memref_slice %arg9[%mul3A_2, %dma_wait3A] : memref<10240x128xf32, #tpu.memory_space<vmem_shared>> -> memref<640x128xf32, #tpu.memory_space<vmem_shared>>
      %dma_wait3A_15 = arith.constant 0 : i32
      %dma_wait3A_16 = tpu.memref_slice %arg2[%mul3A_2, %dma_wait3A_15] : memref<10240x128xf32, #tpu.memory_space<hbm>> -> memref<640x128xf32, #tpu.memory_space<hbm>>
      tpu.wait_dma2 semaphore(%run_scoped3A : memref<!tpu.dma_semaphore, #tpu.memory_space<semaphore_mem>>) src(%dma_wait3A_16 : memref<640x128xf32, #tpu.memory_space<hbm>>) dst(%dma_wait3A_14 : memref<640x128xf32, #tpu.memory_space<vmem_shared>>)
      tpu.yield
    }) : () -> ()
    %barrier3A = arith.constant 0 : index
    tpu.barrier barrier_id(%barrier3A)
    %mul3A_3 = arith.constant 10000 : i32
    %mul3A_4 = arith.muli %add3A, %mul3A_3 : i32
    %scan3A = arith.constant 0 : i32
    %scan3A_5 = arith.constant 0 : i32
    %scan3A_6 = arith.constant 125 : i32
    %scan3A_7 = arith.addi %scan3A_5, %scan3A_6 : i32
    %scan3A_8 = arith.constant 1 : i32
    scf.for %scan3A_11 = %scan3A_5 to %scan3A_7 step %scan3A_8  : i32 {
      %mul3A_12 = arith.constant 80 : i32
      %mul3A_13 = arith.muli %scan3A_11, %mul3A_12 : i32
      %add3A_14 = arith.addi %mul3A_4, %mul3A_13 : i32
      "tpu.region"() ({
        %run_scoped3A = tpu.sem_alloc : memref<!tpu.dma_semaphore, #tpu.memory_space<semaphore_mem>>
        %dma_start3A_19 = tpu.memref_slice %arg3[%add3A_14] : memref<320000xi32, #tpu.memory_space<hbm>> -> memref<80xi32, #tpu.memory_space<hbm>>
        %dma_start3A_20 = tpu.memref_slice %arg3[%add3A_14] : memref<320000xi32, #tpu.memory_space<hbm>> -> memref<80xi32, #tpu.memory_space<hbm>>
        tpu.enqueue_dma source(%dma_start3A_20 : memref<80xi32, #tpu.memory_space<hbm>>) target(%arg6 : memref<80xi32, #tpu.memory_space<vmem>>) target_semaphore(%run_scoped3A : memref<!tpu.dma_semaphore, #tpu.memory_space<semaphore_mem>>)
        %dma_wait3A_21 = tpu.memref_slice %arg3[%add3A_14] : memref<320000xi32, #tpu.memory_space<hbm>> -> memref<80xi32, #tpu.memory_space<hbm>>
        %dma_wait3A_22 = tpu.memref_slice %arg3[%add3A_14] : memref<320000xi32, #tpu.memory_space<hbm>> -> memref<80xi32, #tpu.memory_space<hbm>>
        tpu.wait_dma2 semaphore(%run_scoped3A : memref<!tpu.dma_semaphore, #tpu.memory_space<semaphore_mem>>) src(%dma_wait3A_22 : memref<80xi32, #tpu.memory_space<hbm>>) dst(%arg6 : memref<80xi32, #tpu.memory_space<vmem>>)
        tpu.yield
      }) : () -> ()
      "tpu.region"() ({
        %run_scoped3A = tpu.sem_alloc : memref<!tpu.dma_semaphore, #tpu.memory_space<semaphore_mem>>
        %dma_start3A_19 = tpu.memref_slice %arg4[%add3A_14] : memref<320000xi32, #tpu.memory_space<hbm>> -> memref<80xi32, #tpu.memory_space<hbm>>
        %dma_start3A_20 = tpu.memref_slice %arg4[%add3A_14] : memref<320000xi32, #tpu.memory_space<hbm>> -> memref<80xi32, #tpu.memory_space<hbm>>
        tpu.enqueue_dma source(%dma_start3A_20 : memref<80xi32, #tpu.memory_space<hbm>>) target(%arg7 : memref<80xi32, #tpu.memory_space<vmem>>) target_semaphore(%run_scoped3A : memref<!tpu.dma_semaphore, #tpu.memory_space<semaphore_mem>>)
        %dma_wait3A_21 = tpu.memref_slice %arg4[%add3A_14] : memref<320000xi32, #tpu.memory_space<hbm>> -> memref<80xi32, #tpu.memory_space<hbm>>
        %dma_wait3A_22 = tpu.memref_slice %arg4[%add3A_14] : memref<320000xi32, #tpu.memory_space<hbm>> -> memref<80xi32, #tpu.memory_space<hbm>>
        tpu.wait_dma2 semaphore(%run_scoped3A : memref<!tpu.dma_semaphore, #tpu.memory_space<semaphore_mem>>) src(%dma_wait3A_22 : memref<80xi32, #tpu.memory_space<hbm>>) dst(%arg7 : memref<80xi32, #tpu.memory_space<vmem>>)
        tpu.yield
      }) : () -> ()
      %dma_start3A = arith.constant 0 : i32
      %dma_start3A_15 = arith.constant 0 : i32
      %dma_start3A_16 = tpu.memref_slice %arg2[%dma_start3A, %dma_start3A_15] : memref<10240x128xf32, #tpu.memory_space<hbm>> -> memref<10240x128xf32, #tpu.memory_space<hbm>>
      tpu.enqueue_indirect_dma source(%dma_start3A_16 : memref<10240x128xf32, #tpu.memory_space<hbm>>) target(%arg8 : memref<80x128xf32, #tpu.memory_space<vmem>>) offsets(%arg6 : memref<80xi32, #tpu.memory_space<vmem>>) semaphore(%arg10 : memref<!tpu.dma_semaphore, #tpu.memory_space<semaphore_mem>>)
      %dma_wait3A = arith.constant 0 : i32
      %dma_wait3A_17 = arith.constant 0 : i32
      %dma_wait3A_18 = tpu.memref_slice %arg2[%dma_wait3A, %dma_wait3A_17] : memref<10240x128xf32, #tpu.memory_space<hbm>> -> memref<10240x128xf32, #tpu.memory_space<hbm>>
      tpu.wait_indirect_dma semaphore(%arg10 : memref<!tpu.dma_semaphore, #tpu.memory_space<semaphore_mem>>) src(%dma_wait3A_18 : memref<10240x128xf32, #tpu.memory_space<hbm>>) dst(%arg8 : memref<80x128xf32, #tpu.memory_space<vmem>>)
      "tpu.region"() ({
        %run_scoped3A = tpu.sem_alloc : memref<!tpu.dma_semaphore, #tpu.memory_space<semaphore_mem>>
        %dma_start3A_19 = arith.constant 0 : i32
        %dma_start3A_20 = arith.constant 0 : i32
        %dma_start3A_21 = tpu.memref_slice %arg9[%dma_start3A_19, %dma_start3A_20] : memref<10240x128xf32, #tpu.memory_space<vmem_shared>> -> memref<10240x128xf32, #tpu.memory_space<vmem_shared>>
        tpu.enqueue_indirect_dma source(%arg8 : memref<80x128xf32, #tpu.memory_space<vmem>>) target(%dma_start3A_21 : memref<10240x128xf32, #tpu.memory_space<vmem_shared>>) offsets(%arg7 : memref<80xi32, #tpu.memory_space<vmem>>) semaphore(%run_scoped3A : memref<!tpu.dma_semaphore, #tpu.memory_space<semaphore_mem>>) {add = true}
        %dma_wait3A_22 = arith.constant 0 : i32
        %dma_wait3A_23 = arith.constant 0 : i32
        %dma_wait3A_24 = tpu.memref_slice %arg9[%dma_wait3A_22, %dma_wait3A_23] : memref<10240x128xf32, #tpu.memory_space<vmem_shared>> -> memref<10240x128xf32, #tpu.memory_space<vmem_shared>>
        tpu.wait_indirect_dma semaphore(%run_scoped3A : memref<!tpu.dma_semaphore, #tpu.memory_space<semaphore_mem>>) src(%arg8 : memref<80x128xf32, #tpu.memory_space<vmem>>) dst(%dma_wait3A_24 : memref<10240x128xf32, #tpu.memory_space<vmem_shared>>)
        tpu.yield
      }) : () -> ()
    }
    %scan3A_9 = arith.constant 125 : i32
    %barrier3A_10 = arith.constant 0 : index
    tpu.barrier barrier_id(%barrier3A_10)
    "tpu.region"() ({
      %run_scoped3A = tpu.sem_alloc : memref<!tpu.dma_semaphore, #tpu.memory_space<semaphore_mem>>
      %dma_start3A = arith.constant 0 : i32
      %dma_start3A_11 = tpu.memref_slice %arg5[%arg0, %mul3A_2, %dma_start3A] : memref<2x10240x128xf32, #tpu.memory_space<hbm>> -> memref<1x640x128xf32, #tpu.memory_space<hbm>>
      %dma_start3A_12 = tpu.memref_squeeze %dma_start3A_11 : memref<1x640x128xf32, #tpu.memory_space<hbm>> -> memref<640x128xf32, #tpu.memory_space<hbm>>
      %dma_start3A_13 = arith.constant 0 : i32
      %dma_start3A_14 = tpu.memref_slice %arg9[%mul3A_2, %dma_start3A_13] : memref<10240x128xf32, #tpu.memory_space<vmem_shared>> -> memref<640x128xf32, #tpu.memory_space<vmem_shared>>
      tpu.enqueue_dma source(%dma_start3A_14 : memref<640x128xf32, #tpu.memory_space<vmem_shared>>) target(%dma_start3A_12 : memref<640x128xf32, #tpu.memory_space<hbm>>) target_semaphore(%run_scoped3A : memref<!tpu.dma_semaphore, #tpu.memory_space<semaphore_mem>>)
      %dma_wait3A = arith.constant 0 : i32
      %dma_wait3A_15 = tpu.memref_slice %arg5[%arg0, %mul3A_2, %dma_wait3A] : memref<2x10240x128xf32, #tpu.memory_space<hbm>> -> memref<1x640x128xf32, #tpu.memory_space<hbm>>
      %dma_wait3A_16 = tpu.memref_squeeze %dma_wait3A_15 : memref<1x640x128xf32, #tpu.memory_space<hbm>> -> memref<640x128xf32, #tpu.memory_space<hbm>>
      %dma_wait3A_17 = arith.constant 0 : i32
      %dma_wait3A_18 = tpu.memref_slice %arg9[%mul3A_2, %dma_wait3A_17] : memref<10240x128xf32, #tpu.memory_space<vmem_shared>> -> memref<640x128xf32, #tpu.memory_space<vmem_shared>>
      tpu.wait_dma2 semaphore(%run_scoped3A : memref<!tpu.dma_semaphore, #tpu.memory_space<semaphore_mem>>) src(%dma_wait3A_18 : memref<640x128xf32, #tpu.memory_space<vmem_shared>>) dst(%dma_wait3A_16 : memref<640x128xf32, #tpu.memory_space<hbm>>)
      tpu.yield
    }) : () -> ()
    return
  }
}

module attributes {stable_mosaic.version = 14 : i64} {
  func.func @_tc2_body(%arg0: i32, %arg1: memref<2x1024x128xf32, #tpu.memory_space<vmem>>, %arg2: memref<1024x128xf32, #tpu.memory_space<vmem>>, %arg3: memref<1024x128xf32, #tpu.memory_space<vmem>>, %arg4: memref<1x128xf32, #tpu.memory_space<vmem>>, %arg5: memref<128x128xf32, #tpu.memory_space<vmem>>, %arg6: memref<1024x128xf32, #tpu.memory_space<vmem>>) attributes {dimension_semantics = [#tpu.dimension_semantics<arbitrary>], iteration_bounds = array<i64: 10>, scalar_prefetch = 0 : i64, scratch_operands = 0 : i64, tpu.core_type = #tpu.core_type<tc>, window_params = [{transform_indices = @transform_0, window_bounds = array<i64: 2, 1024, 128>}, {transform_indices = @transform_1, window_bounds = array<i64: 1024, 128>}, {transform_indices = @transform_2, window_bounds = array<i64: 1024, 128>}, {pipeline_mode = #tpu.pipeline_mode<synchronous>, transform_indices = @transform_3, window_bounds = array<i64: 1, 128>}, {pipeline_mode = #tpu.pipeline_mode<synchronous>, transform_indices = @transform_4, window_bounds = array<i64: 128, 128>}, {transform_indices = @transform_5, window_bounds = array<i64: 1024, 128>}]} {
    %get3A = arith.constant 0 : index
    %get3A_0 = arith.constant 0 : index
    %get3A_1 = vector.load %arg3[%get3A, %get3A_0] : memref<1024x128xf32, #tpu.memory_space<vmem>>, vector<1024x128xf32>
    %get3A_2 = arith.constant 0 : index
    %get3A_3 = arith.constant 0 : index
    %get3A_4 = arith.constant 0 : index
    %get3A_5 = vector.load %arg1[%get3A_2, %get3A_3, %get3A_4] : memref<2x1024x128xf32, #tpu.memory_space<vmem>>, vector<1x1024x128xf32>
    %get3A_6 = vector.shape_cast %get3A_5 : vector<1x1024x128xf32> to vector<1024x128xf32>
    %get3A_7 = arith.constant 1 : index
    %get3A_8 = arith.constant 0 : index
    %get3A_9 = arith.constant 0 : index
    %get3A_10 = vector.load %arg1[%get3A_7, %get3A_8, %get3A_9] : memref<2x1024x128xf32, #tpu.memory_space<vmem>>, vector<1x1024x128xf32>
    %get3A_11 = vector.shape_cast %get3A_10 : vector<1x1024x128xf32> to vector<1024x128xf32>
    %add3A = arith.addf %get3A_6, %get3A_11 : vector<1024x128xf32>
    %get3A_12 = arith.constant 0 : index
    %get3A_13 = arith.constant 0 : index
    %get3A_14 = vector.load %arg2[%get3A_12, %get3A_13] : memref<1024x128xf32, #tpu.memory_space<vmem>>, vector<1024x128xf32>
    %sub3A = arith.subf %add3A, %get3A_14 : vector<1024x128xf32>
    %mul3A = arith.mulf %get3A_1, %sub3A : vector<1024x128xf32>
    %get3A_15 = arith.constant 0 : index
    %get3A_16 = arith.constant 0 : index
    %get3A_17 = vector.load %arg4[%get3A_15, %get3A_16] : memref<1x128xf32, #tpu.memory_space<vmem>>, vector<1x128xf32>
    %add3A_18 = vector.broadcast %get3A_17 : vector<1x128xf32> to vector<1024x128xf32>
    %add3A_19 = arith.addf %mul3A, %add3A_18 : vector<1024x128xf32>
    %max3A = arith.constant 0.000000e+00 : f32
    %max3A_20 = vector.broadcast %max3A : f32 to vector<1024x128xf32>
    %max3A_21 = arith.maximumf %add3A_19, %max3A_20 : vector<1024x128xf32>
    %get3A_22 = arith.constant 0 : index
    %get3A_23 = arith.constant 0 : index
    %get3A_24 = vector.load %arg5[%get3A_22, %get3A_23] : memref<128x128xf32, #tpu.memory_space<vmem>>, vector<128x128xf32>
    %dot_general3A = arith.constant dense<0.000000e+00> : vector<1024x128xf32>
    %dot_general3A_25 = tpu.matmul %max3A_21, %get3A_24, %dot_general3A {dimension_numbers = #tpu.dot_dimension_numbers<[1], [0], [0], [1], [0, 0, 1, 1], [], []>, transpose_lhs_hint = false} : vector<1024x128xf32>, vector<128x128xf32>, vector<1024x128xf32> -> vector<1024x128xf32>
    %mul3A_26 = arith.mulf %get3A_1, %dot_general3A_25 : vector<1024x128xf32>
    %swap3A = arith.constant 0 : index
    %swap3A_27 = arith.constant 0 : index
    %swap3A_28 = vector.load %arg6[%swap3A, %swap3A_27] : memref<1024x128xf32, #tpu.memory_space<vmem>>, vector<1024x128xf32>
    tpu.vector_store %arg6[%swap3A, %swap3A_27], %mul3A_26 {strides = array<i32>} : memref<1024x128xf32, #tpu.memory_space<vmem>>, vector<1024x128xf32>,
    return
  }
  func.func @transform_0(%arg0: i32) -> (i32, i32, i32) {
    %c0_i32 = arith.constant 0 : i32
    %c0_i32_0 = arith.constant 0 : i32
    %c0_i32_1 = arith.constant 0 : i32
    return %c0_i32, %arg0, %c0_i32_0 : i32, i32, i32
  }
  func.func @transform_1(%arg0: i32) -> (i32, i32) {
    %c0_i32 = arith.constant 0 : i32
    %c0_i32_0 = arith.constant 0 : i32
    return %arg0, %c0_i32 : i32, i32
  }
  func.func @transform_2(%arg0: i32) -> (i32, i32) {
    %c0_i32 = arith.constant 0 : i32
    %c0_i32_0 = arith.constant 0 : i32
    return %arg0, %c0_i32 : i32, i32
  }
  func.func @transform_3(%arg0: i32) -> (i32, i32) {
    %c0_i32 = arith.constant 0 : i32
    %c0_i32_0 = arith.constant 0 : i32
    %c0_i32_1 = arith.constant 0 : i32
    return %c0_i32, %c0_i32_0 : i32, i32
  }
  func.func @transform_4(%arg0: i32) -> (i32, i32) {
    %c0_i32 = arith.constant 0 : i32
    %c0_i32_0 = arith.constant 0 : i32
    %c0_i32_1 = arith.constant 0 : i32
    return %c0_i32, %c0_i32_0 : i32, i32
  }
  func.func @transform_5(%arg0: i32) -> (i32, i32) {
    %c0_i32 = arith.constant 0 : i32
    %c0_i32_0 = arith.constant 0 : i32
    return %arg0, %c0_i32 : i32, i32
  }
}

module attributes {stable_mosaic.version = 14 : i64} {
  func.func @_tc1_body(%arg0: i32, %arg1: memref<1024x1xi32, #tpu.memory_space<vmem>>, %arg2: memref<2x1024x16xf32, #tpu.memory_space<vmem>>, %arg3: memref<32x128xf32, #tpu.memory_space<vmem>>, %arg4: memref<128x128xf32, #tpu.memory_space<vmem>>, %arg5: memref<1024x128xf32, #tpu.memory_space<vmem>>, %arg6: memref<1024x128xf32, #tpu.memory_space<vmem>>) attributes {dimension_semantics = [#tpu.dimension_semantics<arbitrary>], iteration_bounds = array<i64: 10>, scalar_prefetch = 0 : i64, scratch_operands = 0 : i64, tpu.core_type = #tpu.core_type<tc>, window_params = [{transform_indices = @transform_0, window_bounds = array<i64: 1024, 1>}, {transform_indices = @transform_1, window_bounds = array<i64: 2, 1024, 16>}, {pipeline_mode = #tpu.pipeline_mode<synchronous>, transform_indices = @transform_2, window_bounds = array<i64: 32, 128>}, {pipeline_mode = #tpu.pipeline_mode<synchronous>, transform_indices = @transform_3, window_bounds = array<i64: 128, 128>}, {transform_indices = @transform_4, window_bounds = array<i64: 1024, 128>}, {transform_indices = @transform_5, window_bounds = array<i64: 1024, 128>}]} {
    %get3A = arith.constant 0 : index
    %get3A_0 = arith.constant 0 : index
    %get3A_1 = vector.load %arg1[%get3A, %get3A_0] : memref<1024x1xi32, #tpu.memory_space<vmem>>, vector<1024x1xi32>
    %get3A_2 = arith.constant 0 : index
    %get3A_3 = arith.constant 0 : index
    %get3A_4 = arith.constant 0 : index
    %get3A_5 = vector.load %arg2[%get3A_2, %get3A_3, %get3A_4] : memref<2x1024x16xf32, #tpu.memory_space<vmem>>, vector<1x1024x1xf32>
    %get3A_6 = vector.shape_cast %get3A_5 : vector<1x1024x1xf32> to vector<1024x1xf32>
    %add3A = arith.constant 1.000000e+00 : f32
    %add3A_7 = vector.broadcast %add3A : f32 to vector<1024x1xf32>
    %add3A_8 = arith.addf %add3A_7, %get3A_6 : vector<1024x1xf32>
    %get3A_9 = arith.constant 1 : index
    %get3A_10 = arith.constant 0 : index
    %get3A_11 = arith.constant 0 : index
    %get3A_12 = vector.load %arg2[%get3A_9, %get3A_10, %get3A_11] : memref<2x1024x16xf32, #tpu.memory_space<vmem>>, vector<1x1024x1xf32>
    %get3A_13 = vector.shape_cast %get3A_12 : vector<1x1024x1xf32> to vector<1024x1xf32>
    %add3A_14 = arith.addf %add3A_8, %get3A_13 : vector<1024x1xf32>
    %rsqrt3A = math.rsqrt %add3A_14 : vector<1024x1xf32>
    %broadcast_in_dim3A = vector.shape_cast %rsqrt3A : vector<1024x1xf32> to vector<1024x1xf32>
    %broadcast_in_dim3A_15 = vector.broadcast %broadcast_in_dim3A : vector<1024x1xf32> to vector<1024x128xf32>
    %iota3A = tpu.iota {dimensions = array<i32: 1>} : vector<1x32xi32>
    %eq3A = vector.broadcast %get3A_1 : vector<1024x1xi32> to vector<1024x32xi32>
    %eq3A_16 = vector.broadcast %iota3A : vector<1x32xi32> to vector<1024x32xi32>
    %eq3A_17 = arith.cmpi eq, %eq3A, %eq3A_16 : vector<1024x32xi32>
    %convert_element_type3A = arith.extui %eq3A_17 : vector<1024x32xi1> to vector<1024x32xi32>
    %convert_element_type3A_18 = arith.sitofp %convert_element_type3A : vector<1024x32xi32> to vector<1024x32xf32>
    %get3A_19 = arith.constant 0 : index
    %get3A_20 = arith.constant 0 : index
    %get3A_21 = vector.load %arg3[%get3A_19, %get3A_20] : memref<32x128xf32, #tpu.memory_space<vmem>>, vector<32x128xf32>
    %get3A_22 = arith.constant 0 : index
    %get3A_23 = arith.constant 0 : index
    %get3A_24 = vector.load %arg4[%get3A_22, %get3A_23] : memref<128x128xf32, #tpu.memory_space<vmem>>, vector<128x128xf32>
    %dot_general3A = arith.constant dense<0.000000e+00> : vector<32x128xf32>
    %dot_general3A_25 = tpu.matmul %get3A_21, %get3A_24, %dot_general3A {dimension_numbers = #tpu.dot_dimension_numbers<[1], [0], [0], [1], [0, 0, 1, 1], [], []>, transpose_lhs_hint = false} : vector<32x128xf32>, vector<128x128xf32>, vector<32x128xf32> -> vector<32x128xf32>
    %dot_general3A_26 = arith.constant dense<0.000000e+00> : vector<1024x128xf32>
    %dot_general3A_27 = tpu.matmul %convert_element_type3A_18, %dot_general3A_25, %dot_general3A_26 {dimension_numbers = #tpu.dot_dimension_numbers<[1], [0], [0], [1], [0, 0, 1, 1], [], []>, transpose_lhs_hint = false} : vector<1024x32xf32>, vector<32x128xf32>, vector<1024x128xf32> -> vector<1024x128xf32>
    %mul3A = arith.mulf %broadcast_in_dim3A_15, %dot_general3A_27 : vector<1024x128xf32>
    %swap3A = arith.constant 0 : index
    %swap3A_28 = arith.constant 0 : index
    %swap3A_29 = vector.load %arg5[%swap3A, %swap3A_28] : memref<1024x128xf32, #tpu.memory_space<vmem>>, vector<1024x128xf32>
    tpu.vector_store %arg5[%swap3A, %swap3A_28], %mul3A {strides = array<i32>} : memref<1024x128xf32, #tpu.memory_space<vmem>>, vector<1024x128xf32>,
    %swap3A_30 = arith.constant 0 : index
    %swap3A_31 = arith.constant 0 : index
    %swap3A_32 = vector.load %arg6[%swap3A_30, %swap3A_31] : memref<1024x128xf32, #tpu.memory_space<vmem>>, vector<1024x128xf32>
    tpu.vector_store %arg6[%swap3A_30, %swap3A_31], %broadcast_in_dim3A_15 {strides = array<i32>} : memref<1024x128xf32, #tpu.memory_space<vmem>>, vector<1024x128xf32>,
    return
  }
  func.func @transform_0(%arg0: i32) -> (i32, i32) {
    %c0_i32 = arith.constant 0 : i32
    %c0_i32_0 = arith.constant 0 : i32
    return %arg0, %c0_i32 : i32, i32
  }
  func.func @transform_1(%arg0: i32) -> (i32, i32, i32) {
    %c0_i32 = arith.constant 0 : i32
    %c0_i32_0 = arith.constant 0 : i32
    %c0_i32_1 = arith.constant 0 : i32
    return %c0_i32, %arg0, %c0_i32_0 : i32, i32, i32
  }
  func.func @transform_2(%arg0: i32) -> (i32, i32) {
    %c0_i32 = arith.constant 0 : i32
    %c0_i32_0 = arith.constant 0 : i32
    %c0_i32_1 = arith.constant 0 : i32
    return %c0_i32, %c0_i32_0 : i32, i32
  }
  func.func @transform_3(%arg0: i32) -> (i32, i32) {
    %c0_i32 = arith.constant 0 : i32
    %c0_i32_0 = arith.constant 0 : i32
    %c0_i32_1 = arith.constant 0 : i32
    return %c0_i32, %c0_i32_0 : i32, i32
  }
  func.func @transform_4(%arg0: i32) -> (i32, i32) {
    %c0_i32 = arith.constant 0 : i32
    %c0_i32_0 = arith.constant 0 : i32
    return %arg0, %c0_i32 : i32, i32
  }
  func.func @transform_5(%arg0: i32) -> (i32, i32) {
    %c0_i32 = arith.constant 0 : i32
    %c0_i32_0 = arith.constant 0 : i32
    return %arg0, %c0_i32 : i32, i32
  }
}

module attributes {stable_mosaic.version = 14 : i64} {
  func.func @_tc3_body(%arg0: i32, %arg1: memref<2x1024x128xf32, #tpu.memory_space<vmem>>, %arg2: memref<1024x128xf32, #tpu.memory_space<vmem>>, %arg3: memref<1024x128xf32, #tpu.memory_space<vmem>>, %arg4: memref<1x128xf32, #tpu.memory_space<vmem>>, %arg5: memref<1024x128xf32, #tpu.memory_space<vmem>>) attributes {dimension_semantics = [#tpu.dimension_semantics<arbitrary>], iteration_bounds = array<i64: 10>, scalar_prefetch = 0 : i64, scratch_operands = 0 : i64, tpu.core_type = #tpu.core_type<tc>, window_params = [{transform_indices = @transform_0, window_bounds = array<i64: 2, 1024, 128>}, {transform_indices = @transform_1, window_bounds = array<i64: 1024, 128>}, {transform_indices = @transform_2, window_bounds = array<i64: 1024, 128>}, {pipeline_mode = #tpu.pipeline_mode<synchronous>, transform_indices = @transform_3, window_bounds = array<i64: 1, 128>}, {transform_indices = @transform_4, window_bounds = array<i64: 1024, 128>}]} {
    %mul3A = arith.constant 1024 : i32
    %mul3A_0 = arith.muli %arg0, %mul3A : i32
    %iota3A = tpu.iota {dimensions = array<i32: 0>} : vector<1024x1xi32>
    %add3A = vector.broadcast %mul3A_0 : i32 to vector<1024x1xi32>
    %add3A_1 = arith.addi %add3A, %iota3A : vector<1024x1xi32>
    %lt3A = arith.constant 10000 : i32
    %lt3A_2 = vector.broadcast %lt3A : i32 to vector<1024x1xi32>
    %lt3A_3 = arith.cmpi slt, %add3A_1, %lt3A_2 : vector<1024x1xi32>
    %get3A = arith.constant 0 : index
    %get3A_4 = arith.constant 0 : index
    %get3A_5 = vector.load %arg3[%get3A, %get3A_4] : memref<1024x128xf32, #tpu.memory_space<vmem>>, vector<1024x128xf32>
    %get3A_6 = arith.constant 0 : index
    %get3A_7 = arith.constant 0 : index
    %get3A_8 = arith.constant 0 : index
    %get3A_9 = vector.load %arg1[%get3A_6, %get3A_7, %get3A_8] : memref<2x1024x128xf32, #tpu.memory_space<vmem>>, vector<1x1024x128xf32>
    %get3A_10 = vector.shape_cast %get3A_9 : vector<1x1024x128xf32> to vector<1024x128xf32>
    %get3A_11 = arith.constant 1 : index
    %get3A_12 = arith.constant 0 : index
    %get3A_13 = arith.constant 0 : index
    %get3A_14 = vector.load %arg1[%get3A_11, %get3A_12, %get3A_13] : memref<2x1024x128xf32, #tpu.memory_space<vmem>>, vector<1x1024x128xf32>
    %get3A_15 = vector.shape_cast %get3A_14 : vector<1x1024x128xf32> to vector<1024x128xf32>
    %add3A_16 = arith.addf %get3A_10, %get3A_15 : vector<1024x128xf32>
    %get3A_17 = arith.constant 0 : index
    %get3A_18 = arith.constant 0 : index
    %get3A_19 = vector.load %arg2[%get3A_17, %get3A_18] : memref<1024x128xf32, #tpu.memory_space<vmem>>, vector<1024x128xf32>
    %sub3A = arith.subf %add3A_16, %get3A_19 : vector<1024x128xf32>
    %mul3A_20 = arith.mulf %get3A_5, %sub3A : vector<1024x128xf32>
    %get3A_21 = arith.constant 0 : index
    %get3A_22 = arith.constant 0 : index
    %get3A_23 = vector.load %arg4[%get3A_21, %get3A_22] : memref<1x128xf32, #tpu.memory_space<vmem>>, vector<1x128xf32>
    %add3A_24 = vector.broadcast %get3A_23 : vector<1x128xf32> to vector<1024x128xf32>
    %add3A_25 = arith.addf %mul3A_20, %add3A_24 : vector<1024x128xf32>
    %jit3A = arith.constant 0.000000e+00 : f32
    %broadcast_in_dim3A = vector.shape_cast %lt3A_3 : vector<1024x1xi1> to vector<1024x1xi1>
    %broadcast_in_dim3A_26 = vector.broadcast %broadcast_in_dim3A : vector<1024x1xi1> to vector<1024x128xi1>
    %broadcast_in_dim3A_27 = vector.broadcast %jit3A : f32 to vector<1024x128xf32>
    %select_n3A = arith.select %broadcast_in_dim3A_26, %add3A_25, %broadcast_in_dim3A_27 : vector<1024x128xi1>, vector<1024x128xf32>
    %swap3A = arith.constant 0 : index
    %swap3A_28 = arith.constant 0 : index
    %swap3A_29 = vector.load %arg5[%swap3A, %swap3A_28] : memref<1024x128xf32, #tpu.memory_space<vmem>>, vector<1024x128xf32>
    tpu.vector_store %arg5[%swap3A, %swap3A_28], %select_n3A {strides = array<i32>} : memref<1024x128xf32, #tpu.memory_space<vmem>>, vector<1024x128xf32>,
    return
  }
  func.func @transform_0(%arg0: i32) -> (i32, i32, i32) {
    %c0_i32 = arith.constant 0 : i32
    %c0_i32_0 = arith.constant 0 : i32
    %c0_i32_1 = arith.constant 0 : i32
    return %c0_i32, %arg0, %c0_i32_0 : i32, i32, i32
  }
  func.func @transform_1(%arg0: i32) -> (i32, i32) {
    %c0_i32 = arith.constant 0 : i32
    %c0_i32_0 = arith.constant 0 : i32
    return %arg0, %c0_i32 : i32, i32
  }
  func.func @transform_2(%arg0: i32) -> (i32, i32) {
    %c0_i32 = arith.constant 0 : i32
    %c0_i32_0 = arith.constant 0 : i32
    return %arg0, %c0_i32 : i32, i32
  }
  func.func @transform_3(%arg0: i32) -> (i32, i32) {
    %c0_i32 = arith.constant 0 : i32
    %c0_i32_0 = arith.constant 0 : i32
    %c0_i32_1 = arith.constant 0 : i32
    return %c0_i32, %c0_i32_0 : i32, i32
  }
  func.func @transform_4(%arg0: i32) -> (i32, i32) {
    %c0_i32 = arith.constant 0 : i32
    %c0_i32_0 = arith.constant 0 : i32
    return %arg0, %c0_i32 : i32, i32
  }
}

</mosaic_0001>

<sc_bundles>
// kernel: kernel.12.cloned.1.call-start
scs
__scs_entry_jumppad:
0x0: {  	(pc) =	sbr.rel $0x88, $3  }
0x1: {  	(tag) =	ssettag $0x0;
	lr =	simm.s32 $0x1  }
0x2: {  	[smem:$0x3F99] =	sst lr;
	_ =	strace $0xD0000000  }
0x3: {  	_ = 	snop  }
0x4: {  	_ = 	snop  }
0x5: {  	_ = 	snop  }
0x6: {  	_ = 	snop  }
0x7: {  	_ = 	snop  }
__scs_overlays_trampoline_lowered:
0x8: {  	[smem:$0x3FA8] =	sst s0  }
0x9: {  	[smem:$0x3FA9] =	sst s1  }
0xa: {  	[smem:$0x3FAA] =	sst s2  }
0xb: {  	[smem:$0x3FAB] =	sst s3  }
0xc: {  	[smem:$0x3FAC] =	sst s4  }
0xd: {  	[smem:$0x3FAD] =	sst s5  }
0xe: {  	[smem:$0x3FAE] =	sst s6  }
0xf: {  	[smem:$0x3FAF] =	sst s7  }
0x10: {  	[smem:$0x3FB0] =	sst s8  }
0x11: {  	[smem:$0x3FB1] =	sst s9;
	s0 =	simm.s32 @!p0 $0x0  }
0x12: {  	s1 =	sld [smem:$0x3F97];
	s0 =	simm.s32 @p0 $0x1  }
0x13: {  	[smem:$0x3FB2] =	sst s0;
	s0 =	simm.s32 @!p1 $0x0  }
0x14: {  	s2 =	sld [smem:$0x3F96];
	s0 =	simm.s32 @p1 $0x1  }
0x15: {  	[smem:$0x3FB3] =	sst s0;
	s0 =	simm.s32 @!p2 $0x0  }
0x16: {  	s3 =	sld [smem:$0x3FDB];
	s0 =	simm.s32 @p2 $0x1  }
0x17: {  	s4 =	simm.s32 $0x1BF5;
	[smem:$0x3FB5] =	sst s0  }
0x18: {  	s0 =	sld [smem:$0x3F98];
	_ =	swait.ge [sflag:s4], $0x0  }
0x19: {  	s7 =	sld [smem:$0x3F99]  }
0x1a: {  	s8 =	sadd.s32 $0xFFFFE003, lr  }
0x1b: {  	s9 =	sadd.s32 $0xFFFFFEF7, lr;
	s5 =	simm.s32 $0xFFFFFFFF;
	p2 =	slt.u32 s8, $0xFFFFF086  }
0x1c: {  	p1 =	slt.u32 s9, $0xF7A;
	s5 =	simm.s32 @!p2 $0x0  }
0x1d: {  	s5 =	simm.s32 @p1 $0x1;
	p0 =	seq.s32 s7, s2  }
0x1e: {  	s7 =	smul.u32 @!p0 $0xF7A, s2;
	p2 =	seq.s32 @!p0 s5, $0x0  }
0x1f: {  	s9 =	smul.u32 $0xF7A, s1;
	s8 =	simm.s32 @!p0 $0x1BF5;
	p2 =	por !p2, p0  }
0x20: {  	[sflag:s8] =	ssyncset.s32 @!p0 $0xFFFFF086;
	s6 =	sadd.s32 @!p0 s3, s7;
	s7 =	simm.s32 @!p0 $0x108  }
0x21: {  	s3 =	sadd.s32 s3, s9;
	s6 =	sadd.s32 @!p0 $0x88, s6;
	s7 =	simm.s32 @p2 $0x1082  }
0x22: {  	[simem:s7], [sflag:s8] =	dma.local @!p0 [hbm:s6], $0xF7A  }
0x23: {  	s9 =	sor.u32 $0xD0000000, s2;
	s6 =	simm.s32 $0x108;
	_ =	swait.ge @!p0 [sflag:s8], $0x0  }
0x24: {  	s3 =	sadd.s32 $0x88, s3;
	s6 =	simm.s32 @!p1 $0x1082;
	[sflag:s4] =	ssyncset.s32 $0xFFFFF086  }
0x25: {  	[simem:s6], [sflag:s4] =	dma.local [hbm:s3], $0xF7A  }
0x26: {  	[smem:$0x3F99] =	sst s1;
	(tag) =	ssettag s2;
	_ =	strace s9  }
0x27: {  	s1 =	sld [smem:$0x3FA9]  }
0x28: {  	s2 =	sld [smem:$0x3FAA]  }
0x29: {  	s4 =	sld [smem:$0x3FAC]  }
0x2a: {  	p0 =	seq.s32 s5, $0x0;
	s5 =	sld [smem:$0x3FAD]  }
0x2b: {  	s6 =	sld [smem:$0x3FAE]  }
0x2c: {  	s7 =	sld [smem:$0x3FAF]  }
0x2d: {  	s3 =	simm.s32 $0x108;
	s8 =	sld [smem:$0x3FB0]  }
0x2e: {  	s3 =	simm.s32 @!p0 $0x1082;
	s9 =	sld [smem:$0x3FB1]  }
0x2f: {  	lr =	sadd.s32 s0, s3;
	s0 =	sld [smem:$0x3FA8]  }
0x30: {  	s3 =	sld [smem:$0x3FAB]  }
0x31: {  	[smem:$0x3FB4] =	sst s10  }
0x32: {  	s10 =	sld [smem:$0x3FB2];
	_ =	sdelay $0x3  }
0x33: {  	p0 =	seq.s32 s10, $0x1;
	s10 =	sld [smem:$0x3FB4];
	_ =	sdelay $0x3  }
0x34: {  	[smem:$0x3FB4] =	sst s10  }
0x35: {  	s10 =	sld [smem:$0x3FB3];
	_ =	sdelay $0x3  }
0x36: {  	p1 =	seq.s32 s10, $0x1;
	s10 =	sld [smem:$0x3FB4];
	_ =	sdelay $0x3  }
0x37: {  	[smem:$0x3FB4] =	sst s10  }
0x38: {  	s10 =	sld [smem:$0x3FB5]  }
0x39: {  	_ = 	snop;
	(pc) =	sbr.ind lr, $3  }
0x3a: {  	_ = 	snop  }
0x3b: {  	_ = 	snop  }
0x3c: {  	p2 =	seq.s32 s10, $0x1;
	s10 =	sld [smem:$0x3FB4]  }
0x3d: {  	_ =	shalt  }
0x3e: {  	_ =	shalt  }
0x3f: {  	_ =	shalt  }
0x40: {  	_ =	shalt  }
0x41: {  	_ =	shalt  }
0x42: {  	_ =	shalt  }
0x43: {  	_ =	shalt  }
0x44: {  	_ =	shalt  }
0x45: {  	_ =	shalt  }
0x46: {  	_ =	shalt  }
0x47: {  	_ =	shalt  }
0x48: {  	_ =	shalt  }
0x49: {  	_ =	shalt  }
0x4a: {  	_ =	shalt  }
0x4b: {  	_ =	shalt  }
0x4c: {  	_ =	shalt  }
0x4d: {  	_ =	shalt  }
0x4e: {  	_ =	shalt  }
0x4f: {  	_ =	shalt  }
0x50: {  	_ =	shalt  }
0x51: {  	_ =	shalt  }
0x52: {  	_ =	shalt  }
0x53: {  	_ =	shalt  }
0x54: {  	_ =	shalt  }
0x55: {  	_ =	shalt  }
0x56: {  	_ =	shalt  }
0x57: {  	_ =	shalt  }
0x58: {  	_ =	shalt  }
0x59: {  	_ =	shalt  }
0x5a: {  	_ =	shalt  }
0x5b: {  	_ =	shalt  }
0x5c: {  	_ =	shalt  }
0x5d: {  	_ =	shalt  }
0x5e: {  	_ =	shalt  }
0x5f: {  	_ =	shalt  }
0x60: {  	_ =	shalt  }
0x61: {  	_ =	shalt  }
0x62: {  	_ =	shalt  }
0x63: {  	_ =	shalt  }
0x64: {  	_ =	shalt  }
0x65: {  	_ =	shalt  }
0x66: {  	_ =	shalt  }
0x67: {  	_ =	shalt  }
0x68: {  	_ =	shalt  }
0x69: {  	_ =	shalt  }
0x6a: {  	_ =	shalt  }
0x6b: {  	_ =	shalt  }
0x6c: {  	_ =	shalt  }
0x6d: {  	_ =	shalt  }
0x6e: {  	_ =	shalt  }
0x6f: {  	_ =	shalt  }
0x70: {  	_ =	shalt  }
0x71: {  	_ =	shalt  }
0x72: {  	_ =	shalt  }
0x73: {  	_ =	shalt  }
0x74: {  	_ =	shalt  }
0x75: {  	_ =	shalt  }
0x76: {  	_ =	shalt  }
0x77: {  	_ =	shalt  }
0x78: {  	_ =	shalt  }
0x79: {  	_ =	shalt  }
0x7a: {  	_ =	shalt  }
0x7b: {  	_ =	shalt  }
0x7c: {  	_ =	shalt  }
0x7d: {  	_ =	shalt  }
0x7e: {  	_ =	shalt  }
0x7f: {  	_ =	shalt  }
0x80: {  	_ =	shalt  }
0x81: {  	_ =	shalt  }
0x82: {  	_ =	shalt  }
0x83: {  	_ =	shalt  }
0x84: {  	_ =	shalt  }
0x85: {  	_ =	shalt  }
0x86: {  	_ =	shalt  }
0x87: {  	_ =	shalt  }
.Lfunc_end0:
.L_simem_size_0:
called_computation.1_lowered:
.L_overlay_start_0:
0x88: {  	s2 =	sld [smem:$0x3FD9]  }
0x89: {  	s3 =	sld [smem:$0x3FFE];
	_ =	sdelay $0x1  }
0x8a: {  	s1 =	srdreg.scid  }
0x8b: {  	s0 =	sand.u32 $0x1, s1  }
0x8c: {  	s16 =	sshll.u32 s0, $0xA;
	s2 =	sadd.s32 s3, s2  }
0x8d: {  	s2 =	sadd.s32 s2, s16  }
0x8e: {  	[smem:$0x3FC0] =	sst s2  }
0x8f: {  	_ = 	snop  }
0x90: {  	(tm) =	ssettm $0x1  }
0x91: {  	s17 =	sld [smem:$0x3FFB];
	_ =	sdelay $0x3  }
0x92: {  	_ =	strace s17  }
0x93: {  	s2 =	sld [smem:$0x3FFC];
	_ =	sdelay $0x3  }
0x94: {  	_ =	strace s2  }
0x95: {  	s2 =	sld [smem:$0x3FFD];
	_ =	sdelay $0x3  }
0x96: {  	_ =	strace s2  }
0x97: {  	_ =	strace $0x8FFFFFFF  }
0x98: {  	s18 =	sld [smem:$0x3FDB];
	_ =	sdelay $0x1  }
0x99: {  	s19 =	simm.s32 $_scs_section_size  }
0x9a: {  	s4 =	simm.s32 $_size__tile_overlayer_lowered;
	s5 =	simm.s32 $_tile_overlayer_lowered  }
0x9b: {  	s22 =	simm.s32 $0x1BFF;
	s21 =	sshll.u32 s5, $0x1;
	s2 =	sadd.s32 s19, s18  }
0x9c: {  	s6 =	simm.s32 $0x0;
	s20 =	sshll.u32 s4, $0x1;
	s4 =	sadd.s32 s21, s2  }
0x9d: {  	[timem:s6], [sflag:s22] =	dma.local [hbm:s4], s20  }
0x9e: {  	_ =	swait.ge [sflag:s22], s20  }
0x9f: {  	s3 =	ssub.s32 $0x0, s20;
	[sflag:s22] =	ssyncset.done $0x0  }
0xa0: {  	[sflag:s22] =	ssyncadd.s32 s3;
	_ =	sdelay $0x1  }
0xa1: {  	s23 =	simm.s32 $0x1B8B  }
0xa2: {  	_ =	swait.ge [sflag:s23], $0x1  }
0xa3: {  	[sflag:s23] =	ssyncset.done $0x0  }
0xa4: {  	s25 =	simm.s32 $0x1B8E;
	s24 =	sld [smem:$0x3FFE];
	[sflag:s23] =	ssyncadd.s32 $0xFFFFFFFF  }
0xa5: {  	s26 =	simm.s32 $execute0_lowered;
	[smem:$0x3FD2] =	sst s25  }
0xa6: {  	s4 =	sshll.u32 s26, $0x1;
	_ =	strace $0x80000049;
	[dreg:$0x1] =	wrdreg $0xFFFFFFFF  }
0xa7: {  	s28 =	simm.s32 $_size_execute0_lowered;
	s2 =	sadd.s32 s2, s4;
	[dreg:$0x0] =	wrdreg $0x0  }
0xa8: {  	s4 =	sshll.u32 s28, $0x1;
	[dreg:$0x2] =	wrdreg s2  }
0xa9: {  	[dreg:$0x3] =	wrdreg s4  }
0xaa: {  	[dreg:$0x4] =	wrdreg $0xC0  }
0xab: {  	_ =	task [dreg:s6], $0x5FFFF  }
0xac: {  	[dreg:$0x1] =	wrdreg $0xFFFFFFFF  }
0xad: {  	[dreg:$0x0] =	wrdreg $0x60  }
0xae: {  	[dreg:$0x2] =	wrdreg s24  }
0xaf: {  	[dreg:$0x3] =	wrdreg $0x29000  }
0xb0: {  	[dreg:$0x4] =	wrdreg $0x9  }
0xb1: {  	_ =	task.clear_ibuf [dreg:s6], $0x5FFFF;
	_ =	strace $0x90000049  }
0xb2: {  	s29 =	simm.s32 $0x9;
	_ =	strace $0x8000004B  }
0xb3: {  	_ =	swait.ge [sflag:s29], $0x1  }
0xb4: {  	[sflag:s29] =	ssyncadd.s32 $0xFFFFFFFF  }
0xb5: {  	_ =	strace $0x9000004B  }
0xb6: {  	_ =	sfence  }
0xb7: {  	s30 =	sld [smem:$0x0];
	_ =	sdelay $0x2  }
0xb8: {  	s31 =	sshll.u32 s1, $0xD;
	s1 =	sshrl.u32 s1, $0x2  }
0xb9: {  	s3 =	sand.u32 $0x4000, s31;
	s1 =	sadd.s32 s1, s30  }
0xba: {  	s0 =	sor.u32 s3, s0;
	s1 =	sshll.u32 s1, $0x11  }
0xbb: {  	s0 =	sor.u32 s1, s0  }
0xbc: {  	s0 =	sadd.s32 $0x8F2B, s0  }
0xbd: {  	[sflag:s0] =	ssyncadd.remote.s32 $0x1  }
0xbe: {  	_ =	sfence.sel $0xFFFF  }
0xbf: {  	[dreg:$0x0] =	wrdreg $0xFFFFFFFF;
	(pc) =	sbr.abs _section_cstart, $3  }
0xc0: {  	[dreg:$0x1] =	wrdreg $0xFFFFFFFF  }
0xc1: {  	_ =	task.clear_ibuf [dreg:s6], $0x2FFFF;
	_ =	strace $0x9FFFFFFF  }
0xc2: {  	(tm) =	ssettm $0x7FFFFFFF  }
0xc3: {  	_ =	shalt  }
tec
execute0_lowered:
.L_overlay_start_1:
0x0: {  	(tag) =	ssettag $0x1  }
0x1: {  	s1 =	srdreg.scid;
	s5 =	rddreg [dreg:$0x0]  }
0x2: {  	s0 =	stileid.u32;
	s2 =	rddreg [dreg:$0x1];
	s3 =	simm.s32 $0x0  }
0x3: {  	s13 =	simm.s32 $0x80;
	s14 =	simm.s32 $0x50;
	s4 =	smul.u32 $0x4E20, s0  }
0x4: {  	s15 =	simm.s32 $0x100;
	s16 =	simm.s32 $0x1;
	s8 =	smul.u32 $0x14000, s0  }
0x5: {  	s6 =	sand.u32 $0x1, s1;
	s1 =	rddreg [dreg:$0x2];
	s10 =	smul.u32 $0x50000, s0  }
0x6: {  	s17 =	simm.s32 $0x0;
	[smem:$0x7FF] =	sst s3;
	s7 =	smul.u32 $0x2710, s6  }
0x7: {  	s31 =	sshll.u32 s0, $0x6;
	s9 =	smul.u32 $0x140000, s6;
	s6 =	ssub.s32 $0x2, s6  }
0x8: {  	_ =	strace $0x8000004A;
	s26 =	sshrl.u32 s6, $0x1;
	s29 =	sshrl.u32 s10, $0x2  }
0x9: {  	s30 =	sshrl.u32 s8, $0x3;
	s7 =	sadd.s32 s7, s4;
	s4 =	sadd.s32 $0x15E00, s5  }
0xa: {  	s9 =	sadd.s32 s8, s9;
	s28 =	ssub.s32 s6, s26;
	s12 =	sadd.s32 s29, s2  }
0xb: {  	s6 =	sor.u32 $0x1C02, s31;
	s7 =	sshrl.u32 s7, $0x3;
	s9 =	sshrl.u32 s9, $0x3  }
0xc: {  	s8 =	smax.u32 s28, $0x1;
	s11 =	sadd.s32 s7, s5;
	s25 =	sadd.s32 s9, s5  }
0xd: {  	s5 =	sadd.s32 s4, s30;
	s7 =	sadd.s32 $0x3DE00, s25;
	s9 =	sadd.s32 $0xC000, s11  }
0xe: {  	s10 =	sadd.s32 $0x2200, s11;
	s11 =	sshrl.u32 s12, $0x3;
	s12 =	simm.s32 $0x2  }
.LBB2_1:
0xf: {  	[spmem:s11], [sflag:s6] =	dma.local [hbm:s5], $0x2800  }
0x10: {  	_ =	swait.ge [sflag:s12], $0x2800  }
0x11: {  	[sflag:s12] =	ssyncset.done $0x0  }
0x12: {  	[sflag:s12] =	ssyncadd.s32 $0xFFFFD800  }
0x13: {  	s18 =	sadd.s32 $0x0, s10;
	[bflag:$0x0] =	sbarrier.arrive $0xFFFF  }
0x14: {  	[tilespmem:s3], [sflag:$0x2] =	stream.linear.gather [hbm4b:s18+s3], $0x50, $0x38;
	[tilespmem:$0x16900] =	vst v63  }
0x15: {  	_ =	swait.ge [sflag:s12], $0x50  }
0x16: {  	[sflag:s12] =	ssyncset.done $0x0  }
0x17: {  	s31 =	sadd.s32 $0x0, s9;
	[sflag:s12] =	ssyncadd.s32 $0xFFFFFFB0  }
0x18: {  	[tilespmem:s13], [sflag:$0x2] =	stream.linear.gather [hbm4b:s31+s3], $0x50, $0x38;
	[tilespmem:$0x16900] =	vst v63  }
0x19: {  	_ =	swait.ge [sflag:s12], $0x50  }
0x1a: {  	[sflag:s12] =	ssyncset.done $0x0  }
0x1b: {  	[sflag:s12] =	ssyncadd.s32 $0xFFFFFFB0  }
0x1c: {  	[tilespmem:s15], [sflag:$0x1] =	stream.indirect.gather [hbm4b:s4+s14], $0x80, s3, s14, $0xb8;
	[tilespmem:$0x16900] =	vst v63  }
0x1d: {  	_ =	swait.ge [sflag:s16], $0x2800  }
0x1e: {  	[sflag:s16] =	ssyncset.done $0x0  }
0x1f: {  	[sflag:s16] =	ssyncadd.s32 $0xFFFFD800  }
0x20: {  	[spmem:s2] =	stream.indirect.scatter.add.f32 [tilespmem:s15], [sflag:$0x2], $0x80, s13, s14, $0xb8;
	[tilespmem:$0x16900] =	vst v63  }
0x21: {  	_ =	swait.ge [sflag:s12], $0x2800  }
0x22: {  	s19 =	simm.s32 $0x14;
	s18 =	simm.s32 $0xA;
	[sflag:s12] =	ssyncset.done $0x0  }
.LBB2_2:
0x23: {  	s20 =	sadd.s32 s18, s10  }
0x24: {  	[sflag:s12] =	ssyncadd.s32 $0xFFFFD800;
	s21 =	smov.u32 s19;
	s22 =	sadd.s32 $0xA, s19  }
0x25: {  	[tilespmem:s3], [sflag:$0x2] =	stream.linear.gather [hbm4b:s20+s3], $0x50, $0x38;
	[tilespmem:$0x16900] =	vst v63  }
0x26: {  	p0 =	sne.s32 s19, $0x4D8;
	_ =	swait.ge [sflag:s12], $0x50  }
0x27: {  	[sflag:s12] =	ssyncset.done $0x0  }
0x28: {  	s19 =	sadd.s32 s18, s9;
	s18 =	smov.u32 s21;
	[sflag:s12] =	ssyncadd.s32 $0xFFFFFFB0  }
0x29: {  	[tilespmem:s13], [sflag:$0x2] =	stream.linear.gather [hbm4b:s19+s3], $0x50, $0x38;
	[tilespmem:$0x16900] =	vst v63  }
0x2a: {  	_ =	swait.ge [sflag:s12], $0x50  }
0x2b: {  	[sflag:s12] =	ssyncset.done $0x0  }
0x2c: {  	[sflag:s12] =	ssyncadd.s32 $0xFFFFFFB0  }
0x2d: {  	[tilespmem:s15], [sflag:$0x1] =	stream.indirect.gather [hbm4b:s4+s14], $0x80, s3, s14, $0xb8;
	[tilespmem:$0x16900] =	vst v63  }
0x2e: {  	_ =	swait.ge [sflag:s16], $0x2800  }
.Ltmp0:
0x2f: {  	[sflag:s16] =	ssyncset.done $0x0;
	(pc) =	sbr.rel @p0 .LBB2_2-.Ltmp0, $4  }
0x30: {  	[sflag:s16] =	ssyncadd.s32 $0xFFFFD800  }
0x31: {  	[spmem:s2] =	stream.indirect.scatter.add.f32 [tilespmem:s15], [sflag:$0x2], $0x80, s13, s14, $0xb8;
	[tilespmem:$0x16900] =	vst v63  }
0x32: {  	_ =	swait.ge [sflag:s12], $0x2800  }
0x33: {  	s19 =	smov.u32 s22;
	[sflag:s12] =	ssyncset.done $0x0  }
0x34: {  	s19 =	sadd.s32 s18, s10;
	[sflag:s12] =	ssyncadd.s32 $0xFFFFD800  }
0x35: {  	[tilespmem:s3], [sflag:$0x2] =	stream.linear.gather [hbm4b:s19+s3], $0x50, $0x38;
	[tilespmem:$0x16900] =	vst v63  }
0x36: {  	_ =	swait.ge [sflag:s12], $0x50  }
0x37: {  	[sflag:s12] =	ssyncset.done $0x0  }
0x38: {  	s31 =	sadd.s32 s18, s9;
	[sflag:s12] =	ssyncadd.s32 $0xFFFFFFB0  }
0x39: {  	[tilespmem:s13], [sflag:$0x2] =	stream.linear.gather [hbm4b:s31+s3], $0x50, $0x38;
	[tilespmem:$0x16900] =	vst v63  }
0x3a: {  	_ =	swait.ge [sflag:s12], $0x50  }
0x3b: {  	[sflag:s12] =	ssyncset.done $0x0  }
0x3c: {  	[sflag:s12] =	ssyncadd.s32 $0xFFFFFFB0  }
0x3d: {  	[tilespmem:s15], [sflag:$0x1] =	stream.indirect.gather [hbm4b:s4+s14], $0x80, s3, s14, $0xb8;
	[tilespmem:$0x16900] =	vst v63  }
0x3e: {  	_ =	swait.ge [sflag:s16], $0x2800  }
0x3f: {  	[sflag:s16] =	ssyncset.done $0x0  }
0x40: {  	[sflag:s16] =	ssyncadd.s32 $0xFFFFD800  }
0x41: {  	[spmem:s2] =	stream.indirect.scatter.add.f32 [tilespmem:s15], [sflag:$0x2], $0x80, s13, s14, $0xb8;
	[tilespmem:$0x16900] =	vst v63  }
0x42: {  	_ =	swait.ge [sflag:s12], $0x2800  }
0x43: {  	s17 =	sadd.s32 $0x1, s17;
	[sflag:s12] =	ssyncset.done $0x0  }
0x44: {  	p0 =	sne.s32 s17, s8;
	[sflag:s12] =	ssyncadd.s32 $0xFFFFD800  }
.Ltmp1:
0x45: {  	[bflag:$0x0] =	sbarrier.arrive $0xFFFF;
	(pc) =	sbr.rel @p0 .LBB2_1-.Ltmp1, $4  }
0x46: {  	[hbm:s7], [sflag:s6] =	dma.local [spmem:s11], $0x2800  }
0x47: {  	_ =	swait.ge [sflag:s12], $0x2800  }
0x48: {  	[sflag:s12] =	ssyncset.done $0x0  }
0x49: {  	[sflag:s12] =	ssyncadd.s32 $0xFFFFD800  }
0x4a: {  	_ =	sfence.sel $0x180000  }
0x4b: {  	[bflag:$0x0] =	sbarrier.arrive $0xFFFF  }
0x4c: {  	p0 =	sne.s32 s0, $0x0;
	_ =	strace $0x9000004A  }
0x4d: {  	s0 =	sadd.s32 @!p0 $0x100000, s1;
	[bflag:$0x2] =	sbarrier.arrive $0xFFFF  }
0x4e: {  	[sflag:s0] =	ssyncadd.tile.s32 @!p0 $0x1;
	_ =	shalt  }
.Lfunc_end2:
_tile_overlayer_lowered:
.L_overlay_start_2:
0x4f: {  	(tag) =	ssettag $0x2  }
0x50: {  	s0 =	rddreg [dreg:$0x0];
	s2 =	stileid.u32  }
0x51: {  	s1 =	rddreg [dreg:$0x1];
	p0 =	sne.s32 s2, $0x0  }
0x52: {  	s3 =	rddreg [dreg:$0x2];
	[bflag:$0x3] =	sbarrier.arrive $0xFFFF;
	s2 =	simm.s32 @!p0 $0x1C02  }
0x53: {  	[timem:s3], [sflag:s2] =	dma.local @!p0 [hbm:s0], s1  }
0x54: {  	s0 =	simm.s32 @!p0 $0x2  }
0x55: {  	_ =	swait.ge @!p0 [sflag:s0], s1  }
0x56: {  	s1 =	ssub.s32 @!p0 $0x0, s1;
	[sflag:s0] =	ssyncset.done @!p0 $0x0  }
0x57: {  	[sflag:s0] =	ssyncadd.s32 @!p0 s1  }
0x58: {  	[bflag:$0x3] =	sbarrier.arrive $0xFFFF  }
0x59: {  	_ =	shalt  }

// kernel: kernel.15.cloned.1.call-start
scs
__scs_entry_jumppad:
0x0: {  	(pc) =	sbr.rel $0x88, $3  }
0x1: {  	(tag) =	ssettag $0x0;
	lr =	simm.s32 $0x1  }
0x2: {  	[smem:$0x3F99] =	sst lr;
	_ =	strace $0xD0000000  }
0x3: {  	_ = 	snop  }
0x4: {  	_ = 	snop  }
0x5: {  	_ = 	snop  }
0x6: {  	_ = 	snop  }
0x7: {  	_ = 	snop  }
__scs_overlays_trampoline_lowered:
0x8: {  	[smem:$0x3FA8] =	sst s0  }
0x9: {  	[smem:$0x3FA9] =	sst s1  }
0xa: {  	[smem:$0x3FAA] =	sst s2  }
0xb: {  	[smem:$0x3FAB] =	sst s3  }
0xc: {  	[smem:$0x3FAC] =	sst s4  }
0xd: {  	[smem:$0x3FAD] =	sst s5  }
0xe: {  	[smem:$0x3FAE] =	sst s6  }
0xf: {  	[smem:$0x3FAF] =	sst s7  }
0x10: {  	[smem:$0x3FB0] =	sst s8  }
0x11: {  	[smem:$0x3FB1] =	sst s9;
	s0 =	simm.s32 @!p0 $0x0  }
0x12: {  	s1 =	sld [smem:$0x3F97];
	s0 =	simm.s32 @p0 $0x1  }
0x13: {  	[smem:$0x3FB2] =	sst s0;
	s0 =	simm.s32 @!p1 $0x0  }
0x14: {  	s2 =	sld [smem:$0x3F96];
	s0 =	simm.s32 @p1 $0x1  }
0x15: {  	[smem:$0x3FB3] =	sst s0;
	s0 =	simm.s32 @!p2 $0x0  }
0x16: {  	s3 =	sld [smem:$0x3FDB];
	s0 =	simm.s32 @p2 $0x1  }
0x17: {  	s4 =	simm.s32 $0x1BF5;
	[smem:$0x3FB5] =	sst s0  }
0x18: {  	s0 =	sld [smem:$0x3F98];
	_ =	swait.ge [sflag:s4], $0x0  }
0x19: {  	s7 =	sld [smem:$0x3F99]  }
0x1a: {  	s8 =	sadd.s32 $0xFFFFE003, lr  }
0x1b: {  	s9 =	sadd.s32 $0xFFFFFEF7, lr;
	s5 =	simm.s32 $0xFFFFFFFF;
	p2 =	slt.u32 s8, $0xFFFFF086  }
0x1c: {  	p1 =	slt.u32 s9, $0xF7A;
	s5 =	simm.s32 @!p2 $0x0  }
0x1d: {  	s5 =	simm.s32 @p1 $0x1;
	p0 =	seq.s32 s7, s2  }
0x1e: {  	s7 =	smul.u32 @!p0 $0xF7A, s2;
	p2 =	seq.s32 @!p0 s5, $0x0  }
0x1f: {  	s9 =	smul.u32 $0xF7A, s1;
	s8 =	simm.s32 @!p0 $0x1BF5;
	p2 =	por !p2, p0  }
0x20: {  	[sflag:s8] =	ssyncset.s32 @!p0 $0xFFFFF086;
	s6 =	sadd.s32 @!p0 s3, s7;
	s7 =	simm.s32 @!p0 $0x108  }
0x21: {  	s3 =	sadd.s32 s3, s9;
	s6 =	sadd.s32 @!p0 $0x88, s6;
	s7 =	simm.s32 @p2 $0x1082  }
0x22: {  	[simem:s7], [sflag:s8] =	dma.local @!p0 [hbm:s6], $0xF7A  }
0x23: {  	s9 =	sor.u32 $0xD0000000, s2;
	s6 =	simm.s32 $0x108;
	_ =	swait.ge @!p0 [sflag:s8], $0x0  }
0x24: {  	s3 =	sadd.s32 $0x88, s3;
	s6 =	simm.s32 @!p1 $0x1082;
	[sflag:s4] =	ssyncset.s32 $0xFFFFF086  }
0x25: {  	[simem:s6], [sflag:s4] =	dma.local [hbm:s3], $0xF7A  }
0x26: {  	[smem:$0x3F99] =	sst s1;
	(tag) =	ssettag s2;
	_ =	strace s9  }
0x27: {  	s1 =	sld [smem:$0x3FA9]  }
0x28: {  	s2 =	sld [smem:$0x3FAA]  }
0x29: {  	s4 =	sld [smem:$0x3FAC]  }
0x2a: {  	p0 =	seq.s32 s5, $0x0;
	s5 =	sld [smem:$0x3FAD]  }
0x2b: {  	s6 =	sld [smem:$0x3FAE]  }
0x2c: {  	s7 =	sld [smem:$0x3FAF]  }
0x2d: {  	s3 =	simm.s32 $0x108;
	s8 =	sld [smem:$0x3FB0]  }
0x2e: {  	s3 =	simm.s32 @!p0 $0x1082;
	s9 =	sld [smem:$0x3FB1]  }
0x2f: {  	lr =	sadd.s32 s0, s3;
	s0 =	sld [smem:$0x3FA8]  }
0x30: {  	s3 =	sld [smem:$0x3FAB]  }
0x31: {  	[smem:$0x3FB4] =	sst s10  }
0x32: {  	s10 =	sld [smem:$0x3FB2];
	_ =	sdelay $0x3  }
0x33: {  	p0 =	seq.s32 s10, $0x1;
	s10 =	sld [smem:$0x3FB4];
	_ =	sdelay $0x3  }
0x34: {  	[smem:$0x3FB4] =	sst s10  }
0x35: {  	s10 =	sld [smem:$0x3FB3];
	_ =	sdelay $0x3  }
0x36: {  	p1 =	seq.s32 s10, $0x1;
	s10 =	sld [smem:$0x3FB4];
	_ =	sdelay $0x3  }
0x37: {  	[smem:$0x3FB4] =	sst s10  }
0x38: {  	s10 =	sld [smem:$0x3FB5]  }
0x39: {  	_ = 	snop;
	(pc) =	sbr.ind lr, $3  }
0x3a: {  	_ = 	snop  }
0x3b: {  	_ = 	snop  }
0x3c: {  	p2 =	seq.s32 s10, $0x1;
	s10 =	sld [smem:$0x3FB4]  }
0x3d: {  	_ =	shalt  }
0x3e: {  	_ =	shalt  }
0x3f: {  	_ =	shalt  }
0x40: {  	_ =	shalt  }
0x41: {  	_ =	shalt  }
0x42: {  	_ =	shalt  }
0x43: {  	_ =	shalt  }
0x44: {  	_ =	shalt  }
0x45: {  	_ =	shalt  }
0x46: {  	_ =	shalt  }
0x47: {  	_ =	shalt  }
0x48: {  	_ =	shalt  }
0x49: {  	_ =	shalt  }
0x4a: {  	_ =	shalt  }
0x4b: {  	_ =	shalt  }
0x4c: {  	_ =	shalt  }
0x4d: {  	_ =	shalt  }
0x4e: {  	_ =	shalt  }
0x4f: {  	_ =	shalt  }
0x50: {  	_ =	shalt  }
0x51: {  	_ =	shalt  }
0x52: {  	_ =	shalt  }
0x53: {  	_ =	shalt  }
0x54: {  	_ =	shalt  }
0x55: {  	_ =	shalt  }
0x56: {  	_ =	shalt  }
0x57: {  	_ =	shalt  }
0x58: {  	_ =	shalt  }
0x59: {  	_ =	shalt  }
0x5a: {  	_ =	shalt  }
0x5b: {  	_ =	shalt  }
0x5c: {  	_ =	shalt  }
0x5d: {  	_ =	shalt  }
0x5e: {  	_ =	shalt  }
0x5f: {  	_ =	shalt  }
0x60: {  	_ =	shalt  }
0x61: {  	_ =	shalt  }
0x62: {  	_ =	shalt  }
0x63: {  	_ =	shalt  }
0x64: {  	_ =	shalt  }
0x65: {  	_ =	shalt  }
0x66: {  	_ =	shalt  }
0x67: {  	_ =	shalt  }
0x68: {  	_ =	shalt  }
0x69: {  	_ =	shalt  }
0x6a: {  	_ =	shalt  }
0x6b: {  	_ =	shalt  }
0x6c: {  	_ =	shalt  }
0x6d: {  	_ =	shalt  }
0x6e: {  	_ =	shalt  }
0x6f: {  	_ =	shalt  }
0x70: {  	_ =	shalt  }
0x71: {  	_ =	shalt  }
0x72: {  	_ =	shalt  }
0x73: {  	_ =	shalt  }
0x74: {  	_ =	shalt  }
0x75: {  	_ =	shalt  }
0x76: {  	_ =	shalt  }
0x77: {  	_ =	shalt  }
0x78: {  	_ =	shalt  }
0x79: {  	_ =	shalt  }
0x7a: {  	_ =	shalt  }
0x7b: {  	_ =	shalt  }
0x7c: {  	_ =	shalt  }
0x7d: {  	_ =	shalt  }
0x7e: {  	_ =	shalt  }
0x7f: {  	_ =	shalt  }
0x80: {  	_ =	shalt  }
0x81: {  	_ =	shalt  }
0x82: {  	_ =	shalt  }
0x83: {  	_ =	shalt  }
0x84: {  	_ =	shalt  }
0x85: {  	_ =	shalt  }
0x86: {  	_ =	shalt  }
0x87: {  	_ =	shalt  }
.Lfunc_end0:
.L_simem_size_0:
called_computation.2_lowered:
.L_overlay_start_0:
0x88: {  	s2 =	sld [smem:$0x3FD9]  }
0x89: {  	s3 =	sld [smem:$0x3FFE];
	_ =	sdelay $0x1  }
0x8a: {  	s1 =	srdreg.scid  }
0x8b: {  	s0 =	sand.u32 $0x1, s1  }
0x8c: {  	s16 =	sshll.u32 s0, $0xA;
	s2 =	sadd.s32 s3, s2  }
0x8d: {  	s2 =	sadd.s32 s2, s16  }
0x8e: {  	[smem:$0x3FC0] =	sst s2  }
0x8f: {  	_ = 	snop  }
0x90: {  	(tm) =	ssettm $0x1  }
0x91: {  	s17 =	sld [smem:$0x3FFB];
	_ =	sdelay $0x3  }
0x92: {  	_ =	strace s17  }
0x93: {  	s2 =	sld [smem:$0x3FFC];
	_ =	sdelay $0x3  }
0x94: {  	_ =	strace s2  }
0x95: {  	s2 =	sld [smem:$0x3FFD];
	_ =	sdelay $0x3  }
0x96: {  	_ =	strace s2  }
0x97: {  	_ =	strace $0x8FFFFFFF  }
0x98: {  	s18 =	sld [smem:$0x3FDB];
	_ =	sdelay $0x1  }
0x99: {  	s19 =	simm.s32 $_scs_section_size  }
0x9a: {  	s4 =	simm.s32 $_size__tile_overlayer_lowered;
	s5 =	simm.s32 $_tile_overlayer_lowered  }
0x9b: {  	s22 =	simm.s32 $0x1BFF;
	s21 =	sshll.u32 s5, $0x1;
	s2 =	sadd.s32 s19, s18  }
0x9c: {  	s6 =	simm.s32 $0x0;
	s20 =	sshll.u32 s4, $0x1;
	s4 =	sadd.s32 s21, s2  }
0x9d: {  	[timem:s6], [sflag:s22] =	dma.local [hbm:s4], s20  }
0x9e: {  	_ =	swait.ge [sflag:s22], s20  }
0x9f: {  	s3 =	ssub.s32 $0x0, s20;
	[sflag:s22] =	ssyncset.done $0x0  }
0xa0: {  	[sflag:s22] =	ssyncadd.s32 s3;
	_ =	sdelay $0x1  }
0xa1: {  	s23 =	simm.s32 $0x1B8B  }
0xa2: {  	_ =	swait.ge [sflag:s23], $0x1  }
0xa3: {  	[sflag:s23] =	ssyncset.done $0x0  }
0xa4: {  	s25 =	simm.s32 $0x1B8E;
	s24 =	sld [smem:$0x3FFE];
	[sflag:s23] =	ssyncadd.s32 $0xFFFFFFFF  }
0xa5: {  	s26 =	simm.s32 $execute0_lowered;
	[smem:$0x3FD2] =	sst s25  }
0xa6: {  	s4 =	sshll.u32 s26, $0x1;
	_ =	strace $0x8000004C;
	[dreg:$0x1] =	wrdreg $0xFFFFFFFF  }
0xa7: {  	s28 =	simm.s32 $_size_execute0_lowered;
	s2 =	sadd.s32 s2, s4;
	[dreg:$0x0] =	wrdreg $0x0  }
0xa8: {  	s4 =	sshll.u32 s28, $0x1;
	[dreg:$0x2] =	wrdreg s2  }
0xa9: {  	[dreg:$0x3] =	wrdreg s4  }
0xaa: {  	[dreg:$0x4] =	wrdreg $0xC0  }
0xab: {  	_ =	task [dreg:s6], $0x5FFFF  }
0xac: {  	[dreg:$0x1] =	wrdreg $0xFFFFFFFF  }
0xad: {  	[dreg:$0x0] =	wrdreg $0x60  }
0xae: {  	[dreg:$0x2] =	wrdreg s24  }
0xaf: {  	[dreg:$0x3] =	wrdreg $0x29000  }
0xb0: {  	[dreg:$0x4] =	wrdreg $0x9  }
0xb1: {  	_ =	task.clear_ibuf [dreg:s6], $0x5FFFF;
	_ =	strace $0x9000004C  }
0xb2: {  	s29 =	simm.s32 $0x9;
	_ =	strace $0x8000004E  }
0xb3: {  	_ =	swait.ge [sflag:s29], $0x1  }
0xb4: {  	[sflag:s29] =	ssyncadd.s32 $0xFFFFFFFF  }
0xb5: {  	_ =	strace $0x9000004E  }
0xb6: {  	_ =	sfence  }
0xb7: {  	s30 =	sld [smem:$0x0];
	_ =	sdelay $0x2  }
0xb8: {  	s31 =	sshll.u32 s1, $0xD;
	s1 =	sshrl.u32 s1, $0x2  }
0xb9: {  	s3 =	sand.u32 $0x4000, s31;
	s1 =	sadd.s32 s1, s30  }
0xba: {  	s0 =	sor.u32 s3, s0;
	s1 =	sshll.u32 s1, $0x11  }
0xbb: {  	s0 =	sor.u32 s1, s0  }
0xbc: {  	s0 =	sadd.s32 $0x8F2B, s0  }
0xbd: {  	[sflag:s0] =	ssyncadd.remote.s32 $0x1  }
0xbe: {  	_ =	sfence.sel $0xFFFF  }
0xbf: {  	[dreg:$0x0] =	wrdreg $0xFFFFFFFF;
	(pc) =	sbr.abs _section_cstart, $3  }
0xc0: {  	[dreg:$0x1] =	wrdreg $0xFFFFFFFF  }
0xc1: {  	_ =	task.clear_ibuf [dreg:s6], $0x2FFFF;
	_ =	strace $0x9FFFFFFF  }
0xc2: {  	(tm) =	ssettm $0x7FFFFFFF  }
0xc3: {  	_ =	shalt  }
tec
execute0_lowered:
.L_overlay_start_1:
0x0: {  	(tag) =	ssettag $0x1  }
0x1: {  	s1 =	srdreg.scid;
	s5 =	rddreg [dreg:$0x0]  }
0x2: {  	s0 =	stileid.u32;
	s2 =	rddreg [dreg:$0x1];
	s3 =	simm.s32 $0x0  }
0x3: {  	s13 =	simm.s32 $0x80;
	s14 =	simm.s32 $0x50;
	s4 =	smul.u32 $0x4E20, s0  }
0x4: {  	s15 =	simm.s32 $0x100;
	s16 =	simm.s32 $0x1;
	s8 =	smul.u32 $0x14000, s0  }
0x5: {  	s6 =	sand.u32 $0x1, s1;
	s1 =	rddreg [dreg:$0x2];
	s10 =	smul.u32 $0x50000, s0  }
0x6: {  	s17 =	simm.s32 $0x0;
	[smem:$0x7FF] =	sst s3;
	s7 =	smul.u32 $0x2710, s6  }
0x7: {  	s31 =	sshll.u32 s0, $0x6;
	s9 =	smul.u32 $0x140000, s6;
	s6 =	ssub.s32 $0x2, s6  }
0x8: {  	_ =	strace $0x8000004D;
	s26 =	sshrl.u32 s6, $0x1;
	s29 =	sshrl.u32 s10, $0x2  }
0x9: {  	s30 =	sshrl.u32 s8, $0x3;
	s7 =	sadd.s32 s7, s4;
	s4 =	sadd.s32 $0x15E00, s5  }
0xa: {  	s9 =	sadd.s32 s8, s9;
	s28 =	ssub.s32 s6, s26;
	s12 =	sadd.s32 s29, s2  }
0xb: {  	s6 =	sor.u32 $0x1C02, s31;
	s7 =	sshrl.u32 s7, $0x3;
	s9 =	sshrl.u32 s9, $0x3  }
0xc: {  	s8 =	smax.u32 s28, $0x1;
	s11 =	sadd.s32 s7, s5;
	s25 =	sadd.s32 s9, s5  }
0xd: {  	s5 =	sadd.s32 s4, s30;
	s7 =	sadd.s32 $0x3DE00, s25;
	s9 =	sadd.s32 $0xC000, s11  }
0xe: {  	s10 =	sadd.s32 $0x2200, s11;
	s11 =	sshrl.u32 s12, $0x3;
	s12 =	simm.s32 $0x2  }
.LBB2_1:
0xf: {  	[spmem:s11], [sflag:s6] =	dma.local [hbm:s5], $0x2800  }
0x10: {  	_ =	swait.ge [sflag:s12], $0x2800  }
0x11: {  	[sflag:s12] =	ssyncset.done $0x0  }
0x12: {  	[sflag:s12] =	ssyncadd.s32 $0xFFFFD800  }
0x13: {  	s18 =	sadd.s32 $0x0, s10;
	[bflag:$0x0] =	sbarrier.arrive $0xFFFF  }
0x14: {  	[tilespmem:s3], [sflag:$0x2] =	stream.linear.gather [hbm4b:s18+s3], $0x50, $0x38;
	[tilespmem:$0x16900] =	vst v63  }
0x15: {  	_ =	swait.ge [sflag:s12], $0x50  }
0x16: {  	[sflag:s12] =	ssyncset.done $0x0  }
0x17: {  	s31 =	sadd.s32 $0x0, s9;
	[sflag:s12] =	ssyncadd.s32 $0xFFFFFFB0  }
0x18: {  	[tilespmem:s13], [sflag:$0x2] =	stream.linear.gather [hbm4b:s31+s3], $0x50, $0x38;
	[tilespmem:$0x16900] =	vst v63  }
0x19: {  	_ =	swait.ge [sflag:s12], $0x50  }
0x1a: {  	[sflag:s12] =	ssyncset.done $0x0  }
0x1b: {  	[sflag:s12] =	ssyncadd.s32 $0xFFFFFFB0  }
0x1c: {  	[tilespmem:s15], [sflag:$0x1] =	stream.indirect.gather [hbm4b:s4+s14], $0x80, s3, s14, $0xb8;
	[tilespmem:$0x16900] =	vst v63  }
0x1d: {  	_ =	swait.ge [sflag:s16], $0x2800  }
0x1e: {  	[sflag:s16] =	ssyncset.done $0x0  }
0x1f: {  	[sflag:s16] =	ssyncadd.s32 $0xFFFFD800  }
0x20: {  	[spmem:s2] =	stream.indirect.scatter.add.f32 [tilespmem:s15], [sflag:$0x2], $0x80, s13, s14, $0xb8;
	[tilespmem:$0x16900] =	vst v63  }
0x21: {  	_ =	swait.ge [sflag:s12], $0x2800  }
0x22: {  	s19 =	simm.s32 $0x14;
	s18 =	simm.s32 $0xA;
	[sflag:s12] =	ssyncset.done $0x0  }
.LBB2_2:
0x23: {  	s20 =	sadd.s32 s18, s10  }
0x24: {  	[sflag:s12] =	ssyncadd.s32 $0xFFFFD800;
	s21 =	smov.u32 s19;
	s22 =	sadd.s32 $0xA, s19  }
0x25: {  	[tilespmem:s3], [sflag:$0x2] =	stream.linear.gather [hbm4b:s20+s3], $0x50, $0x38;
	[tilespmem:$0x16900] =	vst v63  }
0x26: {  	p0 =	sne.s32 s19, $0x4D8;
	_ =	swait.ge [sflag:s12], $0x50  }
0x27: {  	[sflag:s12] =	ssyncset.done $0x0  }
0x28: {  	s19 =	sadd.s32 s18, s9;
	s18 =	smov.u32 s21;
	[sflag:s12] =	ssyncadd.s32 $0xFFFFFFB0  }
0x29: {  	[tilespmem:s13], [sflag:$0x2] =	stream.linear.gather [hbm4b:s19+s3], $0x50, $0x38;
	[tilespmem:$0x16900] =	vst v63  }
0x2a: {  	_ =	swait.ge [sflag:s12], $0x50  }
0x2b: {  	[sflag:s12] =	ssyncset.done $0x0  }
0x2c: {  	[sflag:s12] =	ssyncadd.s32 $0xFFFFFFB0  }
0x2d: {  	[tilespmem:s15], [sflag:$0x1] =	stream.indirect.gather [hbm4b:s4+s14], $0x80, s3, s14, $0xb8;
	[tilespmem:$0x16900] =	vst v63  }
0x2e: {  	_ =	swait.ge [sflag:s16], $0x2800  }
.Ltmp0:
0x2f: {  	[sflag:s16] =	ssyncset.done $0x0;
	(pc) =	sbr.rel @p0 .LBB2_2-.Ltmp0, $4  }
0x30: {  	[sflag:s16] =	ssyncadd.s32 $0xFFFFD800  }
0x31: {  	[spmem:s2] =	stream.indirect.scatter.add.f32 [tilespmem:s15], [sflag:$0x2], $0x80, s13, s14, $0xb8;
	[tilespmem:$0x16900] =	vst v63  }
0x32: {  	_ =	swait.ge [sflag:s12], $0x2800  }
0x33: {  	s19 =	smov.u32 s22;
	[sflag:s12] =	ssyncset.done $0x0  }
0x34: {  	s19 =	sadd.s32 s18, s10;
	[sflag:s12] =	ssyncadd.s32 $0xFFFFD800  }
0x35: {  	[tilespmem:s3], [sflag:$0x2] =	stream.linear.gather [hbm4b:s19+s3], $0x50, $0x38;
	[tilespmem:$0x16900] =	vst v63  }
0x36: {  	_ =	swait.ge [sflag:s12], $0x50  }
0x37: {  	[sflag:s12] =	ssyncset.done $0x0  }
0x38: {  	s31 =	sadd.s32 s18, s9;
	[sflag:s12] =	ssyncadd.s32 $0xFFFFFFB0  }
0x39: {  	[tilespmem:s13], [sflag:$0x2] =	stream.linear.gather [hbm4b:s31+s3], $0x50, $0x38;
	[tilespmem:$0x16900] =	vst v63  }
0x3a: {  	_ =	swait.ge [sflag:s12], $0x50  }
0x3b: {  	[sflag:s12] =	ssyncset.done $0x0  }
0x3c: {  	[sflag:s12] =	ssyncadd.s32 $0xFFFFFFB0  }
0x3d: {  	[tilespmem:s15], [sflag:$0x1] =	stream.indirect.gather [hbm4b:s4+s14], $0x80, s3, s14, $0xb8;
	[tilespmem:$0x16900] =	vst v63  }
0x3e: {  	_ =	swait.ge [sflag:s16], $0x2800  }
0x3f: {  	[sflag:s16] =	ssyncset.done $0x0  }
0x40: {  	[sflag:s16] =	ssyncadd.s32 $0xFFFFD800  }
0x41: {  	[spmem:s2] =	stream.indirect.scatter.add.f32 [tilespmem:s15], [sflag:$0x2], $0x80, s13, s14, $0xb8;
	[tilespmem:$0x16900] =	vst v63  }
0x42: {  	_ =	swait.ge [sflag:s12], $0x2800  }
0x43: {  	s17 =	sadd.s32 $0x1, s17;
	[sflag:s12] =	ssyncset.done $0x0  }
0x44: {  	p0 =	sne.s32 s17, s8;
	[sflag:s12] =	ssyncadd.s32 $0xFFFFD800  }
.Ltmp1:
0x45: {  	[bflag:$0x0] =	sbarrier.arrive $0xFFFF;
	(pc) =	sbr.rel @p0 .LBB2_1-.Ltmp1, $4  }
0x46: {  	[hbm:s7], [sflag:s6] =	dma.local [spmem:s11], $0x2800  }
0x47: {  	_ =	swait.ge [sflag:s12], $0x2800  }
0x48: {  	[sflag:s12] =	ssyncset.done $0x0  }
0x49: {  	[sflag:s12] =	ssyncadd.s32 $0xFFFFD800  }
0x4a: {  	_ =	sfence.sel $0x180000  }
0x4b: {  	[bflag:$0x0] =	sbarrier.arrive $0xFFFF  }
0x4c: {  	p0 =	sne.s32 s0, $0x0;
	_ =	strace $0x9000004D  }
0x4d: {  	s0 =	sadd.s32 @!p0 $0x100000, s1;
	[bflag:$0x2] =	sbarrier.arrive $0xFFFF  }
0x4e: {  	[sflag:s0] =	ssyncadd.tile.s32 @!p0 $0x1;
	_ =	shalt  }
.Lfunc_end2:
_tile_overlayer_lowered:
.L_overlay_start_2:
0x4f: {  	(tag) =	ssettag $0x2  }
0x50: {  	s0 =	rddreg [dreg:$0x0];
	s2 =	stileid.u32  }
0x51: {  	s1 =	rddreg [dreg:$0x1];
	p0 =	sne.s32 s2, $0x0  }
0x52: {  	s3 =	rddreg [dreg:$0x2];
	[bflag:$0x3] =	sbarrier.arrive $0xFFFF;
	s2 =	simm.s32 @!p0 $0x1C02  }
0x53: {  	[timem:s3], [sflag:s2] =	dma.local @!p0 [hbm:s0], s1  }
0x54: {  	s0 =	simm.s32 @!p0 $0x2  }
0x55: {  	_ =	swait.ge @!p0 [sflag:s0], s1  }
0x56: {  	s1 =	ssub.s32 @!p0 $0x0, s1;
	[sflag:s0] =	ssyncset.done @!p0 $0x0  }
0x57: {  	[sflag:s0] =	ssyncadd.s32 @!p0 s1  }
0x58: {  	[bflag:$0x3] =	sbarrier.arrive $0xFFFF  }
0x59: {  	_ =	shalt  }

// kernel: kernel.18.cloned.1.call-start
scs
__scs_entry_jumppad:
0x0: {  	(pc) =	sbr.rel $0x88, $3  }
0x1: {  	(tag) =	ssettag $0x0;
	lr =	simm.s32 $0x1  }
0x2: {  	[smem:$0x3F99] =	sst lr;
	_ =	strace $0xD0000000  }
0x3: {  	_ = 	snop  }
0x4: {  	_ = 	snop  }
0x5: {  	_ = 	snop  }
0x6: {  	_ = 	snop  }
0x7: {  	_ = 	snop  }
__scs_overlays_trampoline_lowered:
0x8: {  	[smem:$0x3FA8] =	sst s0  }
0x9: {  	[smem:$0x3FA9] =	sst s1  }
0xa: {  	[smem:$0x3FAA] =	sst s2  }
0xb: {  	[smem:$0x3FAB] =	sst s3  }
0xc: {  	[smem:$0x3FAC] =	sst s4  }
0xd: {  	[smem:$0x3FAD] =	sst s5  }
0xe: {  	[smem:$0x3FAE] =	sst s6  }
0xf: {  	[smem:$0x3FAF] =	sst s7  }
0x10: {  	[smem:$0x3FB0] =	sst s8  }
0x11: {  	[smem:$0x3FB1] =	sst s9;
	s0 =	simm.s32 @!p0 $0x0  }
0x12: {  	s1 =	sld [smem:$0x3F97];
	s0 =	simm.s32 @p0 $0x1  }
0x13: {  	[smem:$0x3FB2] =	sst s0;
	s0 =	simm.s32 @!p1 $0x0  }
0x14: {  	s2 =	sld [smem:$0x3F96];
	s0 =	simm.s32 @p1 $0x1  }
0x15: {  	[smem:$0x3FB3] =	sst s0;
	s0 =	simm.s32 @!p2 $0x0  }
0x16: {  	s3 =	sld [smem:$0x3FDB];
	s0 =	simm.s32 @p2 $0x1  }
0x17: {  	s4 =	simm.s32 $0x1BF5;
	[smem:$0x3FB5] =	sst s0  }
0x18: {  	s0 =	sld [smem:$0x3F98];
	_ =	swait.ge [sflag:s4], $0x0  }
0x19: {  	s7 =	sld [smem:$0x3F99]  }
0x1a: {  	s8 =	sadd.s32 $0xFFFFE003, lr  }
0x1b: {  	s9 =	sadd.s32 $0xFFFFFEF7, lr;
	s5 =	simm.s32 $0xFFFFFFFF;
	p2 =	slt.u32 s8, $0xFFFFF086  }
0x1c: {  	p1 =	slt.u32 s9, $0xF7A;
	s5 =	simm.s32 @!p2 $0x0  }
0x1d: {  	s5 =	simm.s32 @p1 $0x1;
	p0 =	seq.s32 s7, s2  }
0x1e: {  	s7 =	smul.u32 @!p0 $0xF7A, s2;
	p2 =	seq.s32 @!p0 s5, $0x0  }
0x1f: {  	s9 =	smul.u32 $0xF7A, s1;
	s8 =	simm.s32 @!p0 $0x1BF5;
	p2 =	por !p2, p0  }
0x20: {  	[sflag:s8] =	ssyncset.s32 @!p0 $0xFFFFF086;
	s6 =	sadd.s32 @!p0 s3, s7;
	s7 =	simm.s32 @!p0 $0x108  }
0x21: {  	s3 =	sadd.s32 s3, s9;
	s6 =	sadd.s32 @!p0 $0x88, s6;
	s7 =	simm.s32 @p2 $0x1082  }
0x22: {  	[simem:s7], [sflag:s8] =	dma.local @!p0 [hbm:s6], $0xF7A  }
0x23: {  	s9 =	sor.u32 $0xD0000000, s2;
	s6 =	simm.s32 $0x108;
	_ =	swait.ge @!p0 [sflag:s8], $0x0  }
0x24: {  	s3 =	sadd.s32 $0x88, s3;
	s6 =	simm.s32 @!p1 $0x1082;
	[sflag:s4] =	ssyncset.s32 $0xFFFFF086  }
0x25: {  	[simem:s6], [sflag:s4] =	dma.local [hbm:s3], $0xF7A  }
0x26: {  	[smem:$0x3F99] =	sst s1;
	(tag) =	ssettag s2;
	_ =	strace s9  }
0x27: {  	s1 =	sld [smem:$0x3FA9]  }
0x28: {  	s2 =	sld [smem:$0x3FAA]  }
0x29: {  	s4 =	sld [smem:$0x3FAC]  }
0x2a: {  	p0 =	seq.s32 s5, $0x0;
	s5 =	sld [smem:$0x3FAD]  }
0x2b: {  	s6 =	sld [smem:$0x3FAE]  }
0x2c: {  	s7 =	sld [smem:$0x3FAF]  }
0x2d: {  	s3 =	simm.s32 $0x108;
	s8 =	sld [smem:$0x3FB0]  }
0x2e: {  	s3 =	simm.s32 @!p0 $0x1082;
	s9 =	sld [smem:$0x3FB1]  }
0x2f: {  	lr =	sadd.s32 s0, s3;
	s0 =	sld [smem:$0x3FA8]  }
0x30: {  	s3 =	sld [smem:$0x3FAB]  }
0x31: {  	[smem:$0x3FB4] =	sst s10  }
0x32: {  	s10 =	sld [smem:$0x3FB2];
	_ =	sdelay $0x3  }
0x33: {  	p0 =	seq.s32 s10, $0x1;
	s10 =	sld [smem:$0x3FB4];
	_ =	sdelay $0x3  }
0x34: {  	[smem:$0x3FB4] =	sst s10  }
0x35: {  	s10 =	sld [smem:$0x3FB3];
	_ =	sdelay $0x3  }
0x36: {  	p1 =	seq.s32 s10, $0x1;
	s10 =	sld [smem:$0x3FB4];
	_ =	sdelay $0x3  }
0x37: {  	[smem:$0x3FB4] =	sst s10  }
0x38: {  	s10 =	sld [smem:$0x3FB5]  }
0x39: {  	_ = 	snop;
	(pc) =	sbr.ind lr, $3  }
0x3a: {  	_ = 	snop  }
0x3b: {  	_ = 	snop  }
0x3c: {  	p2 =	seq.s32 s10, $0x1;
	s10 =	sld [smem:$0x3FB4]  }
0x3d: {  	_ =	shalt  }
0x3e: {  	_ =	shalt  }
0x3f: {  	_ =	shalt  }
0x40: {  	_ =	shalt  }
0x41: {  	_ =	shalt  }
0x42: {  	_ =	shalt  }
0x43: {  	_ =	shalt  }
0x44: {  	_ =	shalt  }
0x45: {  	_ =	shalt  }
0x46: {  	_ =	shalt  }
0x47: {  	_ =	shalt  }
0x48: {  	_ =	shalt  }
0x49: {  	_ =	shalt  }
0x4a: {  	_ =	shalt  }
0x4b: {  	_ =	shalt  }
0x4c: {  	_ =	shalt  }
0x4d: {  	_ =	shalt  }
0x4e: {  	_ =	shalt  }
0x4f: {  	_ =	shalt  }
0x50: {  	_ =	shalt  }
0x51: {  	_ =	shalt  }
0x52: {  	_ =	shalt  }
0x53: {  	_ =	shalt  }
0x54: {  	_ =	shalt  }
0x55: {  	_ =	shalt  }
0x56: {  	_ =	shalt  }
0x57: {  	_ =	shalt  }
0x58: {  	_ =	shalt  }
0x59: {  	_ =	shalt  }
0x5a: {  	_ =	shalt  }
0x5b: {  	_ =	shalt  }
0x5c: {  	_ =	shalt  }
0x5d: {  	_ =	shalt  }
0x5e: {  	_ =	shalt  }
0x5f: {  	_ =	shalt  }
0x60: {  	_ =	shalt  }
0x61: {  	_ =	shalt  }
0x62: {  	_ =	shalt  }
0x63: {  	_ =	shalt  }
0x64: {  	_ =	shalt  }
0x65: {  	_ =	shalt  }
0x66: {  	_ =	shalt  }
0x67: {  	_ =	shalt  }
0x68: {  	_ =	shalt  }
0x69: {  	_ =	shalt  }
0x6a: {  	_ =	shalt  }
0x6b: {  	_ =	shalt  }
0x6c: {  	_ =	shalt  }
0x6d: {  	_ =	shalt  }
0x6e: {  	_ =	shalt  }
0x6f: {  	_ =	shalt  }
0x70: {  	_ =	shalt  }
0x71: {  	_ =	shalt  }
0x72: {  	_ =	shalt  }
0x73: {  	_ =	shalt  }
0x74: {  	_ =	shalt  }
0x75: {  	_ =	shalt  }
0x76: {  	_ =	shalt  }
0x77: {  	_ =	shalt  }
0x78: {  	_ =	shalt  }
0x79: {  	_ =	shalt  }
0x7a: {  	_ =	shalt  }
0x7b: {  	_ =	shalt  }
0x7c: {  	_ =	shalt  }
0x7d: {  	_ =	shalt  }
0x7e: {  	_ =	shalt  }
0x7f: {  	_ =	shalt  }
0x80: {  	_ =	shalt  }
0x81: {  	_ =	shalt  }
0x82: {  	_ =	shalt  }
0x83: {  	_ =	shalt  }
0x84: {  	_ =	shalt  }
0x85: {  	_ =	shalt  }
0x86: {  	_ =	shalt  }
0x87: {  	_ =	shalt  }
.Lfunc_end0:
.L_simem_size_0:
called_computation.3_lowered:
.L_overlay_start_0:
0x88: {  	s2 =	sld [smem:$0x3FD9]  }
0x89: {  	s3 =	sld [smem:$0x3FFE];
	_ =	sdelay $0x1  }
0x8a: {  	s1 =	srdreg.scid  }
0x8b: {  	s0 =	sand.u32 $0x1, s1  }
0x8c: {  	s14 =	sshll.u32 s0, $0xA;
	s2 =	sadd.s32 s3, s2  }
0x8d: {  	s2 =	sadd.s32 s2, s14  }
0x8e: {  	[smem:$0x3FC0] =	sst s2  }
0x8f: {  	_ = 	snop  }
0x90: {  	s2 =	sld [smem:$0x3FD0];
	_ =	sdelay $0x2  }
0x91: {  	s15 =	simm.s32 $0xA;
	s4 =	simm.s32 $0x10  }
0x92: {  	[smem:s4], [sflag:s15] =	dma.local [hbm:s2], $0x1  }
0x93: {  	_ =	swait.eq [sflag:s15], $0x1  }
0x94: {  	[sflag:s15] =	ssyncset.done $0x0  }
0x95: {  	[sflag:s15] =	ssyncadd.s32 $0xFFFFFFFF  }
0x96: {  	s16 =	sld [smem:$0x10];
	(tm) =	ssettm $0x1  }
0x97: {  	s17 =	sld [smem:$0x3FFB];
	_ =	sdelay $0x3  }
0x98: {  	_ =	strace s17  }
0x99: {  	s3 =	sld [smem:$0x3FFC];
	_ =	sdelay $0x3  }
0x9a: {  	_ =	strace s3  }
0x9b: {  	s3 =	sld [smem:$0x3FFD];
	_ =	sdelay $0x3  }
0x9c: {  	_ =	strace s3  }
0x9d: {  	_ =	strace $0x8FFFFFFF  }
0x9e: {  	s18 =	sld [smem:$0x3FDB];
	_ =	sdelay $0x1  }
0x9f: {  	s19 =	simm.s32 $_scs_section_size  }
0xa0: {  	s5 =	simm.s32 $_size__tile_overlayer_lowered;
	s6 =	simm.s32 $_tile_overlayer_lowered  }
0xa1: {  	s22 =	simm.s32 $0x1BFF;
	s21 =	sshll.u32 s6, $0x1;
	s3 =	sadd.s32 s19, s18  }
0xa2: {  	s7 =	simm.s32 $0x0;
	s20 =	sshll.u32 s5, $0x1;
	s5 =	sadd.s32 s21, s3  }
0xa3: {  	[timem:s7], [sflag:s22] =	dma.local [hbm:s5], s20  }
0xa4: {  	_ =	swait.ge [sflag:s22], s20  }
0xa5: {  	s4 =	ssub.s32 $0x0, s20;
	[sflag:s22] =	ssyncset.done $0x0  }
0xa6: {  	[sflag:s22] =	ssyncadd.s32 s4;
	_ =	sdelay $0x1  }
0xa7: {  	s23 =	simm.s32 $0x1B8B  }
0xa8: {  	_ =	swait.ge [sflag:s23], $0x1  }
0xa9: {  	[sflag:s23] =	ssyncset.done $0x0  }
0xaa: {  	s25 =	simm.s32 $0x1B8E;
	s24 =	sld [smem:$0x3FFE];
	[sflag:s23] =	ssyncadd.s32 $0xFFFFFFFF  }
0xab: {  	s26 =	simm.s32 $execute0_lowered;
	[smem:$0x3FD2] =	sst s25  }
0xac: {  	s5 =	sshll.u32 s26, $0x1;
	_ =	strace $0x8000004F;
	[dreg:$0x1] =	wrdreg $0xFFFFFFFF  }
0xad: {  	s28 =	simm.s32 $_size_execute0_lowered;
	s3 =	sadd.s32 s3, s5;
	[dreg:$0x0] =	wrdreg $0x0  }
0xae: {  	s5 =	sshll.u32 s28, $0x1;
	[dreg:$0x2] =	wrdreg s3  }
0xaf: {  	[dreg:$0x3] =	wrdreg s5  }
0xb0: {  	[dreg:$0x4] =	wrdreg $0xC0  }
0xb1: {  	_ =	task [dreg:s7], $0x5FFFF  }
0xb2: {  	[dreg:$0x1] =	wrdreg $0xFFFFFFFF  }
0xb3: {  	[dreg:$0x0] =	wrdreg $0x60  }
0xb4: {  	[dreg:$0x2] =	wrdreg s24  }
0xb5: {  	[dreg:$0x3] =	wrdreg s16  }
0xb6: {  	[dreg:$0x4] =	wrdreg $0x40800  }
0xb7: {  	[dreg:$0x5] =	wrdreg $0x9  }
0xb8: {  	_ =	task.clear_ibuf [dreg:s7], $0x6FFFF;
	_ =	strace $0x9000004F  }
0xb9: {  	s29 =	simm.s32 $0x9;
	_ =	strace $0x80000051  }
0xba: {  	_ =	swait.ge [sflag:s29], $0x1  }
0xbb: {  	[sflag:s29] =	ssyncadd.s32 $0xFFFFFFFF  }
0xbc: {  	_ =	strace $0x90000051  }
0xbd: {  	_ =	sfence  }
0xbe: {  	s30 =	sld [smem:$0x0];
	_ =	sdelay $0x2  }
0xbf: {  	s31 =	sshll.u32 s1, $0xD;
	s1 =	sshrl.u32 s1, $0x2  }
0xc0: {  	s3 =	sand.u32 $0x4000, s31;
	s1 =	sadd.s32 s1, s30  }
0xc1: {  	s0 =	sor.u32 s3, s0;
	s1 =	sshll.u32 s1, $0x11  }
0xc2: {  	s0 =	sor.u32 s1, s0  }
0xc3: {  	s0 =	sadd.s32 $0x8F2B, s0  }
0xc4: {  	[sflag:s0] =	ssyncadd.remote.s32 $0x1  }
0xc5: {  	_ =	sfence.sel $0xFFFF  }
0xc6: {  	[dreg:$0x0] =	wrdreg $0xFFFFFFFF;
	(pc) =	sbr.abs _section_cstart, $3  }
0xc7: {  	[dreg:$0x1] =	wrdreg $0xFFFFFFFF  }
0xc8: {  	_ =	task.clear_ibuf [dreg:s7], $0x2FFFF;
	_ =	strace $0x9FFFFFFF  }
0xc9: {  	(tm) =	ssettm $0x7FFFFFFF  }
tec
execute0_lowered:
.L_overlay_start_1:
0x0: {  	(tag) =	ssettag $0x1  }
0x1: {  	s20 =	rddreg [dreg:$0x0]  }
0x2: {  	s4 =	rddreg [dreg:$0x1]  }
0x3: {  	s2 =	rddreg [dreg:$0x2]  }
0x4: {  	s0 =	rddreg [dreg:$0x3];
	s3 =	simm.s32 $0x0  }
0x5: {  	s1 =	stileid.u32;
	[smem:$0x7FF] =	sst s3  }
0x6: {  	s21 =	sshll.u32 s1, $0x9;
	s5 =	sshll.u32 s1, $0xC;
	s28 =	sshll.u32 s1, $0x6  }
0x7: {  	_ =	strace $0x80000050;
	s6 =	sadd.s32 s5, s2;
	s4 =	sadd.s32 s4, s21  }
0x8: {  	s5 =	sor.u32 $0x1C02, s28;
	s7 =	sshrl.u32 s6, $0x3;
	s6 =	simm.s32 $0x2  }
0x9: {  	[spmem:s7], [sflag:s5] =	dma.local [hbm:s4], $0x200  }
0xa: {  	s22 =	smul.u32 $0x280, s1;
	_ =	swait.ge [sflag:s6], $0x200  }
0xb: {  	[sflag:s6] =	ssyncset.done $0x0  }
0xc: {  	s18 =	sadd.s32 $0x8DE00, s20;
	s8 =	sshrl.u32 s22, $0x3;
	[sflag:s6] =	ssyncadd.s32 $0xFFFFFE00  }
0xd: {  	s8 =	sadd.s32 s18, s8;
	[bflag:$0x0] =	sbarrier.arrive $0xFFFF  }
0xe: {  	[tilespmem:s3], [sflag:$0x2] =	stream.linear.gather [hbm4b:s8+s3], $0x80, $0x38;
	[tilespmem:$0x5080] =	vst v63  }
0xf: {  	s9 =	smul.u32 $0x2800, s1;
	_ =	swait.ge [sflag:s6], $0x80  }
0x10: {  	s10 =	simm.s32 $0x80;
	s19 =	sadd.s32 $0x2200, s20;
	[sflag:s6] =	ssyncset.done $0x0  }
0x11: {  	s11 =	simm.s32 $0x1;
	s9 =	sadd.s32 s19, s9;
	[sflag:s6] =	ssyncadd.s32 $0xFFFFFF80  }
0x12: {  	[tilespmem:s10], [sflag:$0x1] =	stream.linear.gather [hbm4b:s9+s3], $0x4000, $0x38;
	[tilespmem:$0x5080] =	vst v63  }
0x13: {  	_ =	swait.ge [sflag:s11], $0x4000  }
0x14: {  	[sflag:s11] =	ssyncset.done $0x0  }
0x15: {  	[sflag:s11] =	ssyncadd.s32 $0xFFFFC000  }
0x16: {  	[spmem:s2] =	stream.indirect.scatter.add.f32 [tilespmem:s10], [sflag:$0x2], $0x80, s3, s10, $0xb8;
	[tilespmem:$0x5080] =	vst v63  }
0x17: {  	s13 =	sadd.s32 $0x80, s22;
	_ =	swait.ge [sflag:s6], $0x4000  }
0x18: {  	s12 =	sshrl.u32 s13, $0x3;
	[sflag:s6] =	ssyncset.done $0x0  }
0x19: {  	s12 =	sadd.s32 s18, s12;
	[sflag:s6] =	ssyncadd.s32 $0xFFFFC000  }
0x1a: {  	[tilespmem:s3], [sflag:$0x2] =	stream.linear.gather [hbm4b:s12+s3], $0x80, $0x38;
	[tilespmem:$0x5080] =	vst v63  }
0x1b: {  	_ =	swait.ge [sflag:s6], $0x80  }
0x1c: {  	s13 =	sshll.u32 s13, $0x4;
	[sflag:s6] =	ssyncset.done $0x0  }
0x1d: {  	s13 =	sadd.s32 s19, s13;
	[sflag:s6] =	ssyncadd.s32 $0xFFFFFF80  }
0x1e: {  	[tilespmem:s10], [sflag:$0x1] =	stream.linear.gather [hbm4b:s13+s3], $0x4000, $0x38;
	[tilespmem:$0x5080] =	vst v63  }
0x1f: {  	_ =	swait.ge [sflag:s11], $0x4000  }
0x20: {  	[sflag:s11] =	ssyncset.done $0x0  }
0x21: {  	[sflag:s11] =	ssyncadd.s32 $0xFFFFC000  }
0x22: {  	[spmem:s2] =	stream.indirect.scatter.add.f32 [tilespmem:s10], [sflag:$0x2], $0x80, s3, s10, $0xb8;
	[tilespmem:$0x5080] =	vst v63  }
0x23: {  	s15 =	sadd.s32 $0x100, s22;
	_ =	swait.ge [sflag:s6], $0x4000  }
0x24: {  	s14 =	sshrl.u32 s15, $0x3;
	[sflag:s6] =	ssyncset.done $0x0  }
0x25: {  	s14 =	sadd.s32 s18, s14;
	[sflag:s6] =	ssyncadd.s32 $0xFFFFC000  }
0x26: {  	[tilespmem:s3], [sflag:$0x2] =	stream.linear.gather [hbm4b:s14+s3], $0x80, $0x38;
	[tilespmem:$0x5080] =	vst v63  }
0x27: {  	_ =	swait.ge [sflag:s6], $0x80  }
0x28: {  	s15 =	sshll.u32 s15, $0x4;
	[sflag:s6] =	ssyncset.done $0x0  }
0x29: {  	s15 =	sadd.s32 s19, s15;
	[sflag:s6] =	ssyncadd.s32 $0xFFFFFF80  }
0x2a: {  	[tilespmem:s10], [sflag:$0x1] =	stream.linear.gather [hbm4b:s15+s3], $0x4000, $0x38;
	[tilespmem:$0x5080] =	vst v63  }
0x2b: {  	_ =	swait.ge [sflag:s11], $0x4000  }
0x2c: {  	[sflag:s11] =	ssyncset.done $0x0  }
0x2d: {  	[sflag:s11] =	ssyncadd.s32 $0xFFFFC000  }
0x2e: {  	[spmem:s2] =	stream.indirect.scatter.add.f32 [tilespmem:s10], [sflag:$0x2], $0x80, s3, s10, $0xb8;
	[tilespmem:$0x5080] =	vst v63  }
0x2f: {  	s17 =	sadd.s32 $0x180, s22;
	_ =	swait.ge [sflag:s6], $0x4000  }
0x30: {  	s16 =	sshrl.u32 s17, $0x3;
	[sflag:s6] =	ssyncset.done $0x0  }
0x31: {  	s16 =	sadd.s32 s18, s16;
	[sflag:s6] =	ssyncadd.s32 $0xFFFFC000  }
0x32: {  	[tilespmem:s3], [sflag:$0x2] =	stream.linear.gather [hbm4b:s16+s3], $0x80, $0x38;
	[tilespmem:$0x5080] =	vst v63  }
0x33: {  	_ =	swait.ge [sflag:s6], $0x80  }
0x34: {  	s17 =	sshll.u32 s17, $0x4;
	[sflag:s6] =	ssyncset.done $0x0  }
0x35: {  	s17 =	sadd.s32 s19, s17;
	[sflag:s6] =	ssyncadd.s32 $0xFFFFFF80  }
0x36: {  	[tilespmem:s10], [sflag:$0x1] =	stream.linear.gather [hbm4b:s17+s3], $0x4000, $0x38;
	[tilespmem:$0x5080] =	vst v63  }
0x37: {  	_ =	swait.ge [sflag:s11], $0x4000  }
0x38: {  	[sflag:s11] =	ssyncset.done $0x0  }
0x39: {  	[sflag:s11] =	ssyncadd.s32 $0xFFFFC000  }
0x3a: {  	[spmem:s2] =	stream.indirect.scatter.add.f32 [tilespmem:s10], [sflag:$0x2], $0x80, s3, s10, $0xb8;
	[tilespmem:$0x5080] =	vst v63  }
0x3b: {  	s22 =	sadd.s32 $0x200, s22;
	_ =	swait.ge [sflag:s6], $0x4000  }
0x3c: {  	s23 =	sshrl.u32 s22, $0x3;
	[sflag:s6] =	ssyncset.done $0x0  }
0x3d: {  	s18 =	sadd.s32 s18, s23;
	[sflag:s6] =	ssyncadd.s32 $0xFFFFC000  }
0x3e: {  	[tilespmem:s3], [sflag:$0x2] =	stream.linear.gather [hbm4b:s18+s3], $0x80, $0x38;
	[tilespmem:$0x5080] =	vst v63  }
0x3f: {  	_ =	swait.ge [sflag:s6], $0x80  }
0x40: {  	s29 =	srdreg.scid;
	s22 =	sshll.u32 s22, $0x4;
	[sflag:s6] =	ssyncset.done $0x0  }
0x41: {  	s19 =	sadd.s32 s19, s22;
	s22 =	sand.u32 $0x1, s29;
	[sflag:s6] =	ssyncadd.s32 $0xFFFFFF80  }
0x42: {  	[tilespmem:s10], [sflag:$0x1] =	stream.linear.gather [hbm4b:s19+s3], $0x4000, $0x38;
	[tilespmem:$0x5080] =	vst v63  }
0x43: {  	s30 =	ssub.s32 $0x2, s22;
	_ =	swait.ge [sflag:s11], $0x4000  }
0x44: {  	s31 =	sshrl.u32 s30, $0x1;
	[sflag:s11] =	ssyncset.done $0x0  }
0x45: {  	s20 =	sadd.s32 s21, s20;
	s21 =	ssub.s32 s30, s31;
	[sflag:s11] =	ssyncadd.s32 $0xFFFFC000  }
0x46: {  	[spmem:s2] =	stream.indirect.scatter.add.f32 [tilespmem:s10], [sflag:$0x2], $0x80, s3, s10, $0xb8;
	[tilespmem:$0x5080] =	vst v63  }
0x47: {  	s21 =	smax.u32 s21, $0x1;
	_ =	swait.ge [sflag:s6], $0x4000  }
0x48: {  	s22 =	sshll.u32 s22, $0xD;
	p0 =	sne.s32 s21, $0x1;
	[sflag:s6] =	ssyncset.done $0x0  }
.Ltmp0:
0x49: {  	s20 =	sadd.s32 s22, s20;
	[sflag:s6] =	ssyncadd.s32 $0xFFFFC000;
	(pc) =	sbr.rel @!p0 .LBB2_2-.Ltmp0, $4  }
0x4a: {  	s20 =	sadd.s32 $0x2A200, s20;
	[bflag:$0x0] =	sbarrier.arrive $0xFFFF  }
0x4b: {  	[hbm:s20], [sflag:s5] =	dma.local [spmem:s7], $0x200  }
0x4c: {  	_ =	swait.ge [sflag:s6], $0x200  }
0x4d: {  	s21 =	sadd.s32 $0xFFFFFFFF, s21;
	[sflag:s6] =	ssyncset.done $0x0  }
.LBB2_1:
0x4e: {  	p0 =	sne.s32 s21, $0x1;
	s21 =	sadd.s32 $0xFFFFFFFF, s21;
	[sflag:s6] =	ssyncadd.s32 $0xFFFFFE00  }
0x4f: {  	[spmem:s7], [sflag:s5] =	dma.local [hbm:s4], $0x200  }
0x50: {  	_ =	swait.ge [sflag:s6], $0x200  }
0x51: {  	[sflag:s6] =	ssyncset.done $0x0  }
0x52: {  	[sflag:s6] =	ssyncadd.s32 $0xFFFFFE00  }
0x53: {  	[bflag:$0x0] =	sbarrier.arrive $0xFFFF  }
0x54: {  	[tilespmem:s3], [sflag:$0x2] =	stream.linear.gather [hbm4b:s8+s3], $0x80, $0x38;
	[tilespmem:$0x5080] =	vst v63  }
0x55: {  	_ =	swait.ge [sflag:s6], $0x80  }
0x56: {  	[sflag:s6] =	ssyncset.done $0x0  }
0x57: {  	[sflag:s6] =	ssyncadd.s32 $0xFFFFFF80  }
0x58: {  	[tilespmem:s10], [sflag:$0x1] =	stream.linear.gather [hbm4b:s9+s3], $0x4000, $0x38;
	[tilespmem:$0x5080] =	vst v63  }
0x59: {  	_ =	swait.ge [sflag:s11], $0x4000  }
0x5a: {  	[sflag:s11] =	ssyncset.done $0x0  }
0x5b: {  	[sflag:s11] =	ssyncadd.s32 $0xFFFFC000  }
0x5c: {  	[spmem:s2] =	stream.indirect.scatter.add.f32 [tilespmem:s10], [sflag:$0x2], $0x80, s3, s10, $0xb8;
	[tilespmem:$0x5080] =	vst v63  }
0x5d: {  	_ =	swait.ge [sflag:s6], $0x4000  }
0x5e: {  	[sflag:s6] =	ssyncset.done $0x0  }
0x5f: {  	[sflag:s6] =	ssyncadd.s32 $0xFFFFC000  }
0x60: {  	[tilespmem:s3], [sflag:$0x2] =	stream.linear.gather [hbm4b:s12+s3], $0x80, $0x38;
	[tilespmem:$0x5080] =	vst v63  }
0x61: {  	_ =	swait.ge [sflag:s6], $0x80  }
0x62: {  	[sflag:s6] =	ssyncset.done $0x0  }
0x63: {  	[sflag:s6] =	ssyncadd.s32 $0xFFFFFF80  }
0x64: {  	[tilespmem:s10], [sflag:$0x1] =	stream.linear.gather [hbm4b:s13+s3], $0x4000, $0x38;
	[tilespmem:$0x5080] =	vst v63  }
0x65: {  	_ =	swait.ge [sflag:s11], $0x4000  }
0x66: {  	[sflag:s11] =	ssyncset.done $0x0  }
0x67: {  	[sflag:s11] =	ssyncadd.s32 $0xFFFFC000  }
0x68: {  	[spmem:s2] =	stream.indirect.scatter.add.f32 [tilespmem:s10], [sflag:$0x2], $0x80, s3, s10, $0xb8;
	[tilespmem:$0x5080] =	vst v63  }
0x69: {  	_ =	swait.ge [sflag:s6], $0x4000  }
0x6a: {  	[sflag:s6] =	ssyncset.done $0x0  }
0x6b: {  	[sflag:s6] =	ssyncadd.s32 $0xFFFFC000  }
0x6c: {  	[tilespmem:s3], [sflag:$0x2] =	stream.linear.gather [hbm4b:s14+s3], $0x80, $0x38;
	[tilespmem:$0x5080] =	vst v63  }
0x6d: {  	_ =	swait.ge [sflag:s6], $0x80  }
0x6e: {  	[sflag:s6] =	ssyncset.done $0x0  }
0x6f: {  	[sflag:s6] =	ssyncadd.s32 $0xFFFFFF80  }
0x70: {  	[tilespmem:s10], [sflag:$0x1] =	stream.linear.gather [hbm4b:s15+s3], $0x4000, $0x38;
	[tilespmem:$0x5080] =	vst v63  }
0x71: {  	_ =	swait.ge [sflag:s11], $0x4000  }
0x72: {  	[sflag:s11] =	ssyncset.done $0x0  }
0x73: {  	[sflag:s11] =	ssyncadd.s32 $0xFFFFC000  }
0x74: {  	[spmem:s2] =	stream.indirect.scatter.add.f32 [tilespmem:s10], [sflag:$0x2], $0x80, s3, s10, $0xb8;
	[tilespmem:$0x5080] =	vst v63  }
0x75: {  	_ =	swait.ge [sflag:s6], $0x4000  }
0x76: {  	[sflag:s6] =	ssyncset.done $0x0  }
0x77: {  	[sflag:s6] =	ssyncadd.s32 $0xFFFFC000  }
0x78: {  	[tilespmem:s3], [sflag:$0x2] =	stream.linear.gather [hbm4b:s16+s3], $0x80, $0x38;
	[tilespmem:$0x5080] =	vst v63  }
0x79: {  	_ =	swait.ge [sflag:s6], $0x80  }
0x7a: {  	[sflag:s6] =	ssyncset.done $0x0  }
0x7b: {  	[sflag:s6] =	ssyncadd.s32 $0xFFFFFF80  }
0x7c: {  	[tilespmem:s10], [sflag:$0x1] =	stream.linear.gather [hbm4b:s17+s3], $0x4000, $0x38;
	[tilespmem:$0x5080] =	vst v63  }
0x7d: {  	_ =	swait.ge [sflag:s11], $0x4000  }
0x7e: {  	[sflag:s11] =	ssyncset.done $0x0  }
0x7f: {  	[sflag:s11] =	ssyncadd.s32 $0xFFFFC000  }
0x80: {  	[spmem:s2] =	stream.indirect.scatter.add.f32 [tilespmem:s10], [sflag:$0x2], $0x80, s3, s10, $0xb8;
	[tilespmem:$0x5080] =	vst v63  }
0x81: {  	_ =	swait.ge [sflag:s6], $0x4000  }
0x82: {  	[sflag:s6] =	ssyncset.done $0x0  }
0x83: {  	[sflag:s6] =	ssyncadd.s32 $0xFFFFC000  }
0x84: {  	[tilespmem:s3], [sflag:$0x2] =	stream.linear.gather [hbm4b:s18+s3], $0x80, $0x38;
	[tilespmem:$0x5080] =	vst v63  }
0x85: {  	_ =	swait.ge [sflag:s6], $0x80  }
0x86: {  	[sflag:s6] =	ssyncset.done $0x0  }
0x87: {  	[sflag:s6] =	ssyncadd.s32 $0xFFFFFF80  }
0x88: {  	[tilespmem:s10], [sflag:$0x1] =	stream.linear.gather [hbm4b:s19+s3], $0x4000, $0x38;
	[tilespmem:$0x5080] =	vst v63  }
0x89: {  	_ =	swait.ge [sflag:s11], $0x4000  }
0x8a: {  	[sflag:s11] =	ssyncset.done $0x0  }
0x8b: {  	[sflag:s11] =	ssyncadd.s32 $0xFFFFC000  }
0x8c: {  	[spmem:s2] =	stream.indirect.scatter.add.f32 [tilespmem:s10], [sflag:$0x2], $0x80, s3, s10, $0xb8;
	[tilespmem:$0x5080] =	vst v63  }
0x8d: {  	_ =	swait.ge [sflag:s6], $0x4000  }
0x8e: {  	[sflag:s6] =	ssyncset.done $0x0  }
.Ltmp1:
0x8f: {  	[sflag:s6] =	ssyncadd.s32 $0xFFFFC000;
	(pc) =	sbr.rel @p0 .LBB2_1-.Ltmp1, $4  }
0x90: {  	[bflag:$0x0] =	sbarrier.arrive $0xFFFF  }
0x91: {  	[hbm:s20], [sflag:s5] =	dma.local [spmem:s7], $0x200  }
0x92: {  	_ =	swait.ge [sflag:s6], $0x200  }
0x93: {  	[sflag:s6] =	ssyncset.done $0x0  }
.LBB2_2:
0x94: {  	[sflag:s6] =	ssyncadd.s32 $0xFFFFFE00  }
0x95: {  	_ =	sfence.sel $0x180000  }
0x96: {  	[bflag:$0x0] =	sbarrier.arrive $0xFFFF  }
0x97: {  	p0 =	sne.s32 s1, $0x0;
	_ =	strace $0x90000050  }
0x98: {  	s0 =	sadd.s32 @!p0 $0x100000, s0;
	[bflag:$0x2] =	sbarrier.arrive $0xFFFF  }
0x99: {  	[sflag:s0] =	ssyncadd.tile.s32 @!p0 $0x1;
	_ =	shalt  }
.Lfunc_end2:
_tile_overlayer_lowered:
.L_overlay_start_2:
0x9a: {  	(tag) =	ssettag $0x2  }
0x9b: {  	s0 =	rddreg [dreg:$0x0];
	s2 =	stileid.u32  }
0x9c: {  	s1 =	rddreg [dreg:$0x1];
	p0 =	sne.s32 s2, $0x0  }
0x9d: {  	s3 =	rddreg [dreg:$0x2];
	[bflag:$0x3] =	sbarrier.arrive $0xFFFF;
	s2 =	simm.s32 @!p0 $0x1C02  }
0x9e: {  	[timem:s3], [sflag:s2] =	dma.local @!p0 [hbm:s0], s1  }
0x9f: {  	s0 =	simm.s32 @!p0 $0x2  }
0xa0: {  	_ =	swait.ge @!p0 [sflag:s0], s1  }
0xa1: {  	s1 =	ssub.s32 @!p0 $0x0, s1;
	[sflag:s0] =	ssyncset.done @!p0 $0x0  }
0xa2: {  	[sflag:s0] =	ssyncadd.s32 @!p0 s1  }
0xa3: {  	[bflag:$0x3] =	sbarrier.arrive $0xFFFF  }
0xa4: {  	_ =	shalt  }

// kernel: kernel.9.cloned.1.call-start
scs
__scs_entry_jumppad:
0x0: {  	(pc) =	sbr.rel $0x88, $3  }
0x1: {  	(tag) =	ssettag $0x0;
	lr =	simm.s32 $0x1  }
0x2: {  	[smem:$0x3F99] =	sst lr;
	_ =	strace $0xD0000000  }
0x3: {  	_ = 	snop  }
0x4: {  	_ = 	snop  }
0x5: {  	_ = 	snop  }
0x6: {  	_ = 	snop  }
0x7: {  	_ = 	snop  }
__scs_overlays_trampoline_lowered:
0x8: {  	[smem:$0x3FA8] =	sst s0  }
0x9: {  	[smem:$0x3FA9] =	sst s1  }
0xa: {  	[smem:$0x3FAA] =	sst s2  }
0xb: {  	[smem:$0x3FAB] =	sst s3  }
0xc: {  	[smem:$0x3FAC] =	sst s4  }
0xd: {  	[smem:$0x3FAD] =	sst s5  }
0xe: {  	[smem:$0x3FAE] =	sst s6  }
0xf: {  	[smem:$0x3FAF] =	sst s7  }
0x10: {  	[smem:$0x3FB0] =	sst s8  }
0x11: {  	[smem:$0x3FB1] =	sst s9;
	s0 =	simm.s32 @!p0 $0x0  }
0x12: {  	s1 =	sld [smem:$0x3F97];
	s0 =	simm.s32 @p0 $0x1  }
0x13: {  	[smem:$0x3FB2] =	sst s0;
	s0 =	simm.s32 @!p1 $0x0  }
0x14: {  	s2 =	sld [smem:$0x3F96];
	s0 =	simm.s32 @p1 $0x1  }
0x15: {  	[smem:$0x3FB3] =	sst s0;
	s0 =	simm.s32 @!p2 $0x0  }
0x16: {  	s3 =	sld [smem:$0x3FDB];
	s0 =	simm.s32 @p2 $0x1  }
0x17: {  	s4 =	simm.s32 $0x1BF5;
	[smem:$0x3FB5] =	sst s0  }
0x18: {  	s0 =	sld [smem:$0x3F98];
	_ =	swait.ge [sflag:s4], $0x0  }
0x19: {  	s7 =	sld [smem:$0x3F99]  }
0x1a: {  	s8 =	sadd.s32 $0xFFFFE003, lr  }
0x1b: {  	s9 =	sadd.s32 $0xFFFFFEF7, lr;
	s5 =	simm.s32 $0xFFFFFFFF;
	p2 =	slt.u32 s8, $0xFFFFF086  }
0x1c: {  	p1 =	slt.u32 s9, $0xF7A;
	s5 =	simm.s32 @!p2 $0x0  }
0x1d: {  	s5 =	simm.s32 @p1 $0x1;
	p0 =	seq.s32 s7, s2  }
0x1e: {  	s7 =	smul.u32 @!p0 $0xF7A, s2;
	p2 =	seq.s32 @!p0 s5, $0x0  }
0x1f: {  	s9 =	smul.u32 $0xF7A, s1;
	s8 =	simm.s32 @!p0 $0x1BF5;
	p2 =	por !p2, p0  }
0x20: {  	[sflag:s8] =	ssyncset.s32 @!p0 $0xFFFFF086;
	s6 =	sadd.s32 @!p0 s3, s7;
	s7 =	simm.s32 @!p0 $0x108  }
0x21: {  	s3 =	sadd.s32 s3, s9;
	s6 =	sadd.s32 @!p0 $0x88, s6;
	s7 =	simm.s32 @p2 $0x1082  }
0x22: {  	[simem:s7], [sflag:s8] =	dma.local @!p0 [hbm:s6], $0xF7A  }
0x23: {  	s9 =	sor.u32 $0xD0000000, s2;
	s6 =	simm.s32 $0x108;
	_ =	swait.ge @!p0 [sflag:s8], $0x0  }
0x24: {  	s3 =	sadd.s32 $0x88, s3;
	s6 =	simm.s32 @!p1 $0x1082;
	[sflag:s4] =	ssyncset.s32 $0xFFFFF086  }
0x25: {  	[simem:s6], [sflag:s4] =	dma.local [hbm:s3], $0xF7A  }
0x26: {  	[smem:$0x3F99] =	sst s1;
	(tag) =	ssettag s2;
	_ =	strace s9  }
0x27: {  	s1 =	sld [smem:$0x3FA9]  }
0x28: {  	s2 =	sld [smem:$0x3FAA]  }
0x29: {  	s4 =	sld [smem:$0x3FAC]  }
0x2a: {  	p0 =	seq.s32 s5, $0x0;
	s5 =	sld [smem:$0x3FAD]  }
0x2b: {  	s6 =	sld [smem:$0x3FAE]  }
0x2c: {  	s7 =	sld [smem:$0x3FAF]  }
0x2d: {  	s3 =	simm.s32 $0x108;
	s8 =	sld [smem:$0x3FB0]  }
0x2e: {  	s3 =	simm.s32 @!p0 $0x1082;
	s9 =	sld [smem:$0x3FB1]  }
0x2f: {  	lr =	sadd.s32 s0, s3;
	s0 =	sld [smem:$0x3FA8]  }
0x30: {  	s3 =	sld [smem:$0x3FAB]  }
0x31: {  	[smem:$0x3FB4] =	sst s10  }
0x32: {  	s10 =	sld [smem:$0x3FB2];
	_ =	sdelay $0x3  }
0x33: {  	p0 =	seq.s32 s10, $0x1;
	s10 =	sld [smem:$0x3FB4];
	_ =	sdelay $0x3  }
0x34: {  	[smem:$0x3FB4] =	sst s10  }
0x35: {  	s10 =	sld [smem:$0x3FB3];
	_ =	sdelay $0x3  }
0x36: {  	p1 =	seq.s32 s10, $0x1;
	s10 =	sld [smem:$0x3FB4];
	_ =	sdelay $0x3  }
0x37: {  	[smem:$0x3FB4] =	sst s10  }
0x38: {  	s10 =	sld [smem:$0x3FB5]  }
0x39: {  	_ = 	snop;
	(pc) =	sbr.ind lr, $3  }
0x3a: {  	_ = 	snop  }
0x3b: {  	_ = 	snop  }
0x3c: {  	p2 =	seq.s32 s10, $0x1;
	s10 =	sld [smem:$0x3FB4]  }
0x3d: {  	_ =	shalt  }
0x3e: {  	_ =	shalt  }
0x3f: {  	_ =	shalt  }
0x40: {  	_ =	shalt  }
0x41: {  	_ =	shalt  }
0x42: {  	_ =	shalt  }
0x43: {  	_ =	shalt  }
0x44: {  	_ =	shalt  }
0x45: {  	_ =	shalt  }
0x46: {  	_ =	shalt  }
0x47: {  	_ =	shalt  }
0x48: {  	_ =	shalt  }
0x49: {  	_ =	shalt  }
0x4a: {  	_ =	shalt  }
0x4b: {  	_ =	shalt  }
0x4c: {  	_ =	shalt  }
0x4d: {  	_ =	shalt  }
0x4e: {  	_ =	shalt  }
0x4f: {  	_ =	shalt  }
0x50: {  	_ =	shalt  }
0x51: {  	_ =	shalt  }
0x52: {  	_ =	shalt  }
0x53: {  	_ =	shalt  }
0x54: {  	_ =	shalt  }
0x55: {  	_ =	shalt  }
0x56: {  	_ =	shalt  }
0x57: {  	_ =	shalt  }
0x58: {  	_ =	shalt  }
0x59: {  	_ =	shalt  }
0x5a: {  	_ =	shalt  }
0x5b: {  	_ =	shalt  }
0x5c: {  	_ =	shalt  }
0x5d: {  	_ =	shalt  }
0x5e: {  	_ =	shalt  }
0x5f: {  	_ =	shalt  }
0x60: {  	_ =	shalt  }
0x61: {  	_ =	shalt  }
0x62: {  	_ =	shalt  }
0x63: {  	_ =	shalt  }
0x64: {  	_ =	shalt  }
0x65: {  	_ =	shalt  }
0x66: {  	_ =	shalt  }
0x67: {  	_ =	shalt  }
0x68: {  	_ =	shalt  }
0x69: {  	_ =	shalt  }
0x6a: {  	_ =	shalt  }
0x6b: {  	_ =	shalt  }
0x6c: {  	_ =	shalt  }
0x6d: {  	_ =	shalt  }
0x6e: {  	_ =	shalt  }
0x6f: {  	_ =	shalt  }
0x70: {  	_ =	shalt  }
0x71: {  	_ =	shalt  }
0x72: {  	_ =	shalt  }
0x73: {  	_ =	shalt  }
0x74: {  	_ =	shalt  }
0x75: {  	_ =	shalt  }
0x76: {  	_ =	shalt  }
0x77: {  	_ =	shalt  }
0x78: {  	_ =	shalt  }
0x79: {  	_ =	shalt  }
0x7a: {  	_ =	shalt  }
0x7b: {  	_ =	shalt  }
0x7c: {  	_ =	shalt  }
0x7d: {  	_ =	shalt  }
0x7e: {  	_ =	shalt  }
0x7f: {  	_ =	shalt  }
0x80: {  	_ =	shalt  }
0x81: {  	_ =	shalt  }
0x82: {  	_ =	shalt  }
0x83: {  	_ =	shalt  }
0x84: {  	_ =	shalt  }
0x85: {  	_ =	shalt  }
0x86: {  	_ =	shalt  }
0x87: {  	_ =	shalt  }
.Lfunc_end0:
.L_simem_size_0:
called_computation_lowered:
.L_overlay_start_0:
0x88: {  	s2 =	sld [smem:$0x3FD9]  }
0x89: {  	s3 =	sld [smem:$0x3FFE];
	_ =	sdelay $0x1  }
0x8a: {  	s1 =	srdreg.scid  }
0x8b: {  	s0 =	sand.u32 $0x1, s1  }
0x8c: {  	s14 =	sshll.u32 s0, $0xA;
	s2 =	sadd.s32 s3, s2  }
0x8d: {  	s2 =	sadd.s32 s2, s14  }
0x8e: {  	[smem:$0x3FC0] =	sst s2  }
0x8f: {  	_ = 	snop  }
0x90: {  	s2 =	sld [smem:$0x3FD0];
	_ =	sdelay $0x2  }
0x91: {  	s15 =	simm.s32 $0xA;
	s4 =	simm.s32 $0x10  }
0x92: {  	[smem:s4], [sflag:s15] =	dma.local [hbm:s2], $0x1  }
0x93: {  	_ =	swait.eq [sflag:s15], $0x1  }
0x94: {  	[sflag:s15] =	ssyncset.done $0x0  }
0x95: {  	[sflag:s15] =	ssyncadd.s32 $0xFFFFFFFF  }
0x96: {  	s16 =	sld [smem:$0x10];
	(tm) =	ssettm $0x1  }
0x97: {  	s17 =	sld [smem:$0x3FFB];
	_ =	sdelay $0x3  }
0x98: {  	_ =	strace s17  }
0x99: {  	s3 =	sld [smem:$0x3FFC];
	_ =	sdelay $0x3  }
0x9a: {  	_ =	strace s3  }
0x9b: {  	s3 =	sld [smem:$0x3FFD];
	_ =	sdelay $0x3  }
0x9c: {  	_ =	strace s3  }
0x9d: {  	_ =	strace $0x8FFFFFFF  }
0x9e: {  	s18 =	sld [smem:$0x3FDB];
	_ =	sdelay $0x1  }
0x9f: {  	s19 =	simm.s32 $_scs_section_size  }
0xa0: {  	s5 =	simm.s32 $_size__tile_overlayer_lowered;
	s6 =	simm.s32 $_tile_overlayer_lowered  }
0xa1: {  	s22 =	simm.s32 $0x1BFF;
	s21 =	sshll.u32 s6, $0x1;
	s3 =	sadd.s32 s19, s18  }
0xa2: {  	s7 =	simm.s32 $0x0;
	s20 =	sshll.u32 s5, $0x1;
	s5 =	sadd.s32 s21, s3  }
0xa3: {  	[timem:s7], [sflag:s22] =	dma.local [hbm:s5], s20  }
0xa4: {  	_ =	swait.ge [sflag:s22], s20  }
0xa5: {  	s4 =	ssub.s32 $0x0, s20;
	[sflag:s22] =	ssyncset.done $0x0  }
0xa6: {  	[sflag:s22] =	ssyncadd.s32 s4;
	_ =	sdelay $0x1  }
0xa7: {  	s23 =	simm.s32 $0x1B8B  }
0xa8: {  	_ =	swait.ge [sflag:s23], $0x1  }
0xa9: {  	[sflag:s23] =	ssyncset.done $0x0  }
0xaa: {  	s25 =	simm.s32 $0x1B8E;
	s24 =	sld [smem:$0x3FFE];
	[sflag:s23] =	ssyncadd.s32 $0xFFFFFFFF  }
0xab: {  	s26 =	simm.s32 $execute0_lowered;
	[smem:$0x3FD2] =	sst s25  }
0xac: {  	s5 =	sshll.u32 s26, $0x1;
	_ =	strace $0x80000046;
	[dreg:$0x1] =	wrdreg $0xFFFFFFFF  }
0xad: {  	s28 =	simm.s32 $_size_execute0_lowered;
	s3 =	sadd.s32 s3, s5;
	[dreg:$0x0] =	wrdreg $0x0  }
0xae: {  	s5 =	sshll.u32 s28, $0x1;
	[dreg:$0x2] =	wrdreg s3  }
0xaf: {  	[dreg:$0x3] =	wrdreg s5  }
0xb0: {  	[dreg:$0x4] =	wrdreg $0xC0  }
0xb1: {  	_ =	task [dreg:s7], $0x5FFFF  }
0xb2: {  	[dreg:$0x1] =	wrdreg $0xFFFFFFFF  }
0xb3: {  	[dreg:$0x0] =	wrdreg $0x60  }
0xb4: {  	[dreg:$0x2] =	wrdreg s24  }
0xb5: {  	[dreg:$0x3] =	wrdreg s16  }
0xb6: {  	[dreg:$0x4] =	wrdreg $0x28800  }
0xb7: {  	[dreg:$0x5] =	wrdreg $0x9  }
0xb8: {  	_ =	task.clear_ibuf [dreg:s7], $0x6FFFF;
	_ =	strace $0x90000046  }
0xb9: {  	s29 =	simm.s32 $0x9;
	_ =	strace $0x80000048  }
0xba: {  	_ =	swait.ge [sflag:s29], $0x1  }
0xbb: {  	[sflag:s29] =	ssyncadd.s32 $0xFFFFFFFF  }
0xbc: {  	_ =	strace $0x90000048  }
0xbd: {  	_ =	sfence  }
0xbe: {  	s30 =	sld [smem:$0x0];
	_ =	sdelay $0x2  }
0xbf: {  	s31 =	sshll.u32 s1, $0xD;
	s1 =	sshrl.u32 s1, $0x2  }
0xc0: {  	s3 =	sand.u32 $0x4000, s31;
	s1 =	sadd.s32 s1, s30  }
0xc1: {  	s0 =	sor.u32 s3, s0;
	s1 =	sshll.u32 s1, $0x11  }
0xc2: {  	s0 =	sor.u32 s1, s0  }
0xc3: {  	s0 =	sadd.s32 $0x8F2B, s0  }
0xc4: {  	[sflag:s0] =	ssyncadd.remote.s32 $0x1  }
0xc5: {  	_ =	sfence.sel $0xFFFF  }
0xc6: {  	[dreg:$0x0] =	wrdreg $0xFFFFFFFF;
	(pc) =	sbr.abs _section_cstart, $3  }
0xc7: {  	[dreg:$0x1] =	wrdreg $0xFFFFFFFF  }
0xc8: {  	_ =	task.clear_ibuf [dreg:s7], $0x2FFFF;
	_ =	strace $0x9FFFFFFF  }
0xc9: {  	(tm) =	ssettm $0x7FFFFFFF  }
tec
execute0_lowered:
.L_overlay_start_1:
0x0: {  	(tag) =	ssettag $0x1  }
0x1: {  	s5 =	rddreg [dreg:$0x0];
	s1 =	srdreg.scid  }
0x2: {  	s0 =	stileid.u32;
	s2 =	rddreg [dreg:$0x1]  }
0x3: {  	s3 =	rddreg [dreg:$0x2];
	s7 =	smul.u32 $0x4E20, s0  }
0x4: {  	s4 =	simm.s32 $0x0;
	s13 =	simm.s32 $0x50;
	s26 =	smul.u32 $0x14000, s0  }
0x5: {  	s6 =	sand.u32 $0x1, s1;
	s1 =	rddreg [dreg:$0x3];
	s29 =	smul.u32 $0x50000, s0  }
0x6: {  	s14 =	simm.s32 $0x0;
	[smem:$0x7FF] =	sst s4;
	s8 =	smul.u32 $0x2710, s6  }
0x7: {  	s31 =	sshll.u32 s0, $0x6;
	s9 =	smul.u32 $0x140000, s6;
	s6 =	ssub.s32 $0x2, s6  }
0x8: {  	_ =	strace $0x80000047;
	s28 =	sshrl.u32 s26, $0x3;
	s11 =	sshrl.u32 s6, $0x1  }
0x9: {  	s30 =	sshrl.u32 s29, $0x2;
	s7 =	sadd.s32 s8, s7;
	s8 =	sadd.s32 s26, s9  }
0xa: {  	s11 =	ssub.s32 s6, s11;
	s12 =	sadd.s32 s30, s3;
	s7 =	sshrl.u32 s7, $0x3  }
0xb: {  	s8 =	sshrl.u32 s8, $0x3;
	s10 =	sadd.s32 s7, s5;
	s7 =	sadd.s32 s28, s5  }
0xc: {  	s6 =	sor.u32 $0x1C01, s31;
	s8 =	sadd.s32 s8, s5;
	s5 =	sadd.s32 $0x15E00, s7  }
0xd: {  	s7 =	sadd.s32 $0x3DE00, s8;
	s8 =	smax.u32 s11, $0x1;
	s9 =	sadd.s32 $0xC000, s10  }
0xe: {  	s10 =	sshrl.u32 s12, $0x3;
	s11 =	simm.s32 $0x1;
	s12 =	simm.s32 $0x80  }
.LBB2_1:
0xf: {  	[spmem:s10], [sflag:s6] =	dma.local [hbm:s5], $0x2800  }
0x10: {  	_ =	swait.ge [sflag:s11], $0x2800  }
0x11: {  	[sflag:s11] =	ssyncset.done $0x0  }
0x12: {  	[sflag:s11] =	ssyncadd.s32 $0xFFFFD800  }
0x13: {  	[tilespmem:s12], [sflag:$0x1] =	stream.linear.gather [hbm4b:s2+s4], $0x2800, $0x38;
	[tilespmem:$0x5080] =	vst v63  }
0x14: {  	_ =	swait.ge [sflag:s11], $0x2800  }
0x15: {  	[sflag:s11] =	ssyncset.done $0x0  }
0x16: {  	[sflag:s11] =	ssyncadd.s32 $0xFFFFD800  }
0x17: {  	s15 =	sadd.s32 $0x0, s9;
	[bflag:$0x0] =	sbarrier.arrive $0xFFFF  }
0x18: {  	[tilespmem:s4], [sflag:$0x1] =	stream.linear.gather [hbm4b:s15+s4], $0x50, $0x38;
	[tilespmem:$0x5080] =	vst v63  }
0x19: {  	_ =	swait.ge [sflag:s11], $0x50  }
0x1a: {  	[sflag:s11] =	ssyncset.done $0x0  }
0x1b: {  	[sflag:s11] =	ssyncadd.s32 $0xFFFFFFB0  }
0x1c: {  	[spmem:s3] =	stream.indirect.scatter.add.f32 [tilespmem:s12], [sflag:$0x1], $0x10, s4, s13, $0xb8;
	[tilespmem:$0x5080] =	vst v63  }
0x1d: {  	_ =	swait.ge [sflag:s11], $0x500  }
0x1e: {  	s16 =	simm.s32 $0x14;
	s15 =	simm.s32 $0xA;
	[sflag:s11] =	ssyncset.done $0x0  }
.LBB2_2:
0x1f: {  	s17 =	sadd.s32 s15, s9  }
0x20: {  	[sflag:s11] =	ssyncadd.s32 $0xFFFFFB00;
	s15 =	smov.u32 s16;
	s18 =	sadd.s32 $0xA, s16  }
0x21: {  	[tilespmem:s4], [sflag:$0x1] =	stream.linear.gather [hbm4b:s17+s4], $0x50, $0x38;
	[tilespmem:$0x5080] =	vst v63  }
0x22: {  	p0 =	sne.s32 s16, $0x4D8;
	_ =	swait.ge [sflag:s11], $0x50  }
.Ltmp0:
0x23: {  	[sflag:s11] =	ssyncset.done $0x0;
	(pc) =	sbr.rel @p0 .LBB2_2-.Ltmp0, $4  }
0x24: {  	[sflag:s11] =	ssyncadd.s32 $0xFFFFFFB0  }
0x25: {  	[spmem:s3] =	stream.indirect.scatter.add.f32 [tilespmem:s12], [sflag:$0x1], $0x10, s4, s13, $0xb8;
	[tilespmem:$0x5080] =	vst v63  }
0x26: {  	_ =	swait.ge [sflag:s11], $0x500  }
0x27: {  	s16 =	smov.u32 s18;
	[sflag:s11] =	ssyncset.done $0x0  }
0x28: {  	s15 =	sadd.s32 s15, s9;
	[sflag:s11] =	ssyncadd.s32 $0xFFFFFB00  }
0x29: {  	[tilespmem:s4], [sflag:$0x1] =	stream.linear.gather [hbm4b:s15+s4], $0x50, $0x38;
	[tilespmem:$0x5080] =	vst v63  }
0x2a: {  	_ =	swait.ge [sflag:s11], $0x50  }
0x2b: {  	[sflag:s11] =	ssyncset.done $0x0  }
0x2c: {  	[sflag:s11] =	ssyncadd.s32 $0xFFFFFFB0  }
0x2d: {  	[spmem:s3] =	stream.indirect.scatter.add.f32 [tilespmem:s12], [sflag:$0x1], $0x10, s4, s13, $0xb8;
	[tilespmem:$0x5080] =	vst v63  }
0x2e: {  	_ =	swait.ge [sflag:s11], $0x500  }
0x2f: {  	s14 =	sadd.s32 $0x1, s14;
	[sflag:s11] =	ssyncset.done $0x0  }
0x30: {  	p0 =	sne.s32 s14, s8;
	[sflag:s11] =	ssyncadd.s32 $0xFFFFFB00  }
.Ltmp1:
0x31: {  	[bflag:$0x0] =	sbarrier.arrive $0xFFFF;
	(pc) =	sbr.rel @p0 .LBB2_1-.Ltmp1, $4  }
0x32: {  	[hbm:s7], [sflag:s6] =	dma.local [spmem:s10], $0x2800  }
0x33: {  	_ =	swait.ge [sflag:s11], $0x2800  }
0x34: {  	[sflag:s11] =	ssyncset.done $0x0  }
0x35: {  	[sflag:s11] =	ssyncadd.s32 $0xFFFFD800  }
0x36: {  	_ =	sfence.sel $0x180000  }
0x37: {  	[bflag:$0x0] =	sbarrier.arrive $0xFFFF  }
0x38: {  	p0 =	sne.s32 s0, $0x0;
	_ =	strace $0x90000047  }
0x39: {  	s0 =	sadd.s32 @!p0 $0x100000, s1;
	[bflag:$0x2] =	sbarrier.arrive $0xFFFF  }
0x3a: {  	[sflag:s0] =	ssyncadd.tile.s32 @!p0 $0x1;
	_ =	shalt  }
.Lfunc_end2:
_tile_overlayer_lowered:
.L_overlay_start_2:
0x3b: {  	(tag) =	ssettag $0x2  }
0x3c: {  	s0 =	rddreg [dreg:$0x0];
	s2 =	stileid.u32  }
0x3d: {  	s1 =	rddreg [dreg:$0x1];
	p0 =	sne.s32 s2, $0x0  }
0x3e: {  	s3 =	rddreg [dreg:$0x2];
	[bflag:$0x3] =	sbarrier.arrive $0xFFFF;
	s2 =	simm.s32 @!p0 $0x1C01  }
0x3f: {  	[timem:s3], [sflag:s2] =	dma.local @!p0 [hbm:s0], s1  }
0x40: {  	s0 =	simm.s32 @!p0 $0x1  }
0x41: {  	_ =	swait.ge @!p0 [sflag:s0], s1  }
0x42: {  	s1 =	ssub.s32 @!p0 $0x0, s1;
	[sflag:s0] =	ssyncset.done @!p0 $0x0  }
0x43: {  	[sflag:s0] =	ssyncadd.s32 @!p0 s1  }
0x44: {  	[bflag:$0x3] =	sbarrier.arrive $0xFFFF  }
0x45: {  	_ =	shalt  }

</sc_bundles>
